<compile_context>
chip_gen: v7x
topology: tpu7x:2x2x1
jax: 0.10.2.dev20260603
libtpu: 0.0.44.dev20260713+nightly
codegen_flags: <defaults>
</compile_context>

<pallas_src>
import jax
import jax.numpy as jnp
from jax import lax
from jax.experimental import pallas as pl
from jax.experimental.pallas import tpu as pltpu
from jax.experimental.pallas import tpu_sc as plsc

VOCAB = 1000000
D = 32
B = 4096
S = 50
L = 16
NC, NS = 2, 16
NW = NC * NS
ROWS_W = B // NW
ROWS_P = 64
NPASS = ROWS_W // ROWS_P
TOK_P = ROWS_P * S
KW = (S + L - 1) // L

TILE_V = 128
NVT = 999936 // TILE_V
G = 4
NB_ALL = NVT // G
NSLOT = 61
TAIL_V0 = NVT * TILE_V
TAIL_N = VOCAB - TAIL_V0
BATCH_W = G * TILE_V * D


def _tbody(word_t, tail_flat, out_flat, tin_a, tin_b, tout_a, tout_b,
           isem, osem):
    wid = lax.axis_index("s") * NC + lax.axis_index("c")
    iota = lax.iota(jnp.int32, L)

    @pl.when(wid == 0)
    def _():
        pltpu.sync_copy(tail_flat, tout_a.at[pl.ds(0, TAIL_N * D)])
        pltpu.sync_copy(tout_a.at[pl.ds(0, TAIL_N * D)],
                        out_flat.at[pl.ds(TAIL_V0 * D, TAIL_N * D)])

    def fire_in(slot, tin):
        v0 = (wid + NW * slot) * (G * TILE_V)
        pltpu.async_copy(
            word_t.at[:, pl.ds(v0, G * TILE_V)], tin, isem)

    def wait_in(tin):
        pltpu.make_async_copy(
            word_t.at[:, pl.ds(0, G * TILE_V)], tin, isem).wait()

    def transpose(tin, tout):
        @plsc.parallel_loop(0, G * 32, unroll=4)
        def _(tq):
            base = tq * TILE_V
            colb = lax.shift_left(lax.shift_right_logical(tq, 5), 7) \
                + lax.shift_left(jnp.bitwise_and(tq, 31), 2)
            for j in range(4):
                cols = lax.broadcast(colb + j, (L,))
                for c0 in (0, 16):
                    g = plsc.load_gather(tin, [c0 + iota, cols])
                    tout[pl.ds(base + j * D + c0, L)] = g

    def fire_out(slot, tout):
        bi = wid + NW * slot
        pltpu.async_copy(tout, out_flat.at[pl.ds(bi * BATCH_W, BATCH_W)], osem)

    def wait_out(tout):
        pltpu.make_async_copy(
            out_flat.at[pl.ds(0, BATCH_W)], tout, osem).wait()

    fire_in(0, tin_a)

    def step(k, carry):
        slot_a = 2 * k
        slot_b = 2 * k + 1
        fire_in(slot_b, tin_b)
        wait_in(tin_a)

        @pl.when(k > 0)
        def _():
            wait_out(tout_a)

        transpose(tin_a, tout_a)
        fire_out(slot_a, tout_a)
        fire_in(slot_a + 2, tin_a)
        wait_in(tin_b)

        @pl.when(k > 0)
        def _():
            wait_out(tout_b)

        transpose(tin_b, tout_b)
        fire_out(slot_b, tout_b)
        return carry

    lax.fori_loop(0, (NSLOT - 1) // 2, step, 0)

    wait_in(tin_a)
    wait_out(tout_a)
    transpose(tin_a, tout_a)
    fire_out(NSLOT - 1, tout_a)

    @pl.when(wid == NW - 1)
    def _():
        wait_out(tout_b)
        v0 = (NB_ALL - 1) * (G * TILE_V)
        pltpu.async_copy(
            word_t.at[:, pl.ds(v0, G * TILE_V)], tin_b, isem)
        wait_in(tin_b)
        transpose(tin_b, tout_b)
        pltpu.sync_copy(tout_b,
                        out_flat.at[pl.ds((NB_ALL - 1) * BATCH_W, BATCH_W)])

    wait_out(tout_a)
    @pl.when(wid != NW - 1)
    def _():
        wait_out(tout_b)


@jax.jit
def _transpose_run(word_t, tail_flat):
    mesh = plsc.VectorSubcoreMesh(core_axis_name="c", subcore_axis_name="s")
    return pl.kernel(
        _tbody,
        out_type=jax.ShapeDtypeStruct((VOCAB * D,), jnp.float32),
        mesh=mesh,
        scratch_types=[
            pltpu.VMEM((32, G * TILE_V), jnp.float32),
            pltpu.VMEM((32, G * TILE_V), jnp.float32),
            pltpu.VMEM((BATCH_W,), jnp.float32),
            pltpu.VMEM((BATCH_W,), jnp.float32),
            pltpu.SemaphoreType.DMA,
            pltpu.SemaphoreType.DMA,
        ],
        compiler_params=pltpu.CompilerParams(
            needs_layout_passes=False, use_tc_tiling_on_sc=True),
    )(word_t, tail_flat)


def _body(desc_t, word_hbm, weight_hbm, out_hbm,
          idx_v, emb_v, w_v, wexp_v, out_v, gsem, wsem):
    wid = lax.axis_index("s") * NC + lax.axis_index("c")
    iota = lax.iota(jnp.int32, L)
    col0 = wid * ROWS_W

    pltpu.sync_copy(desc_t.at[:, pl.ds(col0, ROWS_W)], idx_v)

    for p in range(NPASS):
        copies = []
        for j in range(S):
            ids = idx_v.at[j, pl.ds(p * ROWS_P, ROWS_P)]
            copies.append(pltpu.async_copy(
                word_hbm.at[ids], emb_v.at[pl.ds(j * ROWS_P, ROWS_P), :], gsem))
            copies.append(pltpu.async_copy(
                weight_hbm.at[ids], w_v.at[pl.ds(j * ROWS_P, ROWS_P)], wsem))
        for c in copies:
            c.wait()

        def row_body(r, _):
            wvecs = []
            for k in range(KW):
                idxs = jnp.minimum(k * L + iota, S - 1) * ROWS_P + r
                wvecs.append(plsc.load_gather(w_v, [idxs]))
            masks = [(k * L + iota) < S for k in range(KW)]
            mvec = jnp.where(masks[0], wvecs[0], -1e30)
            for k in range(1, KW):
                mvec = jnp.maximum(mvec, jnp.where(masks[k], wvecs[k], -1e30))
            mx = jnp.max(mvec)
            svec = jnp.zeros((L,), jnp.float32)
            evecs = []
            for k in range(KW):
                e_k = jnp.where(masks[k], jnp.exp(wvecs[k] - mx), 0.0)
                evecs.append(e_k)
                svec = svec + e_k
            inv = jnp.ones((L,), jnp.float32) / lax.broadcast(jnp.sum(svec), (L,))
            wbase = r * (KW * L)
            for k in range(KW):
                wexp_v[pl.ds(wbase + k * L, L)] = evecs[k] * inv
            acc0 = jnp.zeros((L,), jnp.float32)
            acc1 = jnp.zeros((L,), jnp.float32)
            for j in range(S):
                wb = plsc.load_gather(wexp_v, [lax.broadcast(wbase + j, (L,))])
                acc0 = acc0 + wb * emb_v[j * ROWS_P + r, pl.ds(0, L)]
                acc1 = acc1 + wb * emb_v[j * ROWS_P + r, pl.ds(L, L)]
            out_v[r, pl.ds(0, L)] = acc0
            out_v[r, pl.ds(L, L)] = acc1
            return _

        lax.fori_loop(0, ROWS_P, row_body, 0)

        pltpu.sync_copy(out_v, out_hbm.at[pl.ds(col0 + p * ROWS_P, ROWS_P), :])


@jax.jit
def _run(desc_t, word_rm, weight_flat):
    mesh = plsc.VectorSubcoreMesh(core_axis_name="c", subcore_axis_name="s")
    return pl.kernel(
        _body,
        out_type=jax.ShapeDtypeStruct((B, D), jnp.float32),
        mesh=mesh,
        scratch_types=[
            pltpu.VMEM((S, ROWS_W), jnp.int32),
            pltpu.VMEM((TOK_P, D), jnp.float32),
            pltpu.VMEM((TOK_P,), jnp.float32),
            pltpu.VMEM((ROWS_P * KW * L,), jnp.float32),
            pltpu.VMEM((ROWS_P, D), jnp.float32),
            pltpu.SemaphoreType.DMA,
            pltpu.SemaphoreType.DMA,
        ],
        compiler_params=pltpu.CompilerParams(
            needs_layout_passes=False, use_tc_tiling_on_sc=False),
    )(desc_t, word_rm, weight_flat)


def kernel(desc, word_table, weight_table):
    tail_flat = word_table[TAIL_V0:, :].reshape(TAIL_N * D)
    wt_flat = _transpose_run(word_table.T, tail_flat)
    wt_rm = wt_flat.reshape(VOCAB, D)
    return _run(desc.T, wt_rm, weight_table.reshape(VOCAB))

# --- scband reference (transcript-rebuilt; emitter-appended) ---
"""Pipeline reference for scband-weighted-sum-encoder-81836306858796 (READ-ONLY COPY).

The authoritative reference and input builder live on the scoring server;
editing this copy changes nothing except your own understanding.
"""

import jax, jax.numpy as jnp
import numpy as np

VOCAB = 1000000
EMBED_DIM = 32
BATCH = 4096
SEQ = 50


def setup_inputs(seed: int = 0) -> dict:
    key = jax.random.key(seed)
    k1, k2, k3 = jax.random.split(key, 3)
    desc = jax.random.randint(k1, (BATCH, SEQ), 0, VOCAB, dtype=jnp.int64 if jax.config.jax_enable_x64 else jnp.int32).astype(jnp.int32)
    word_table = jax.random.normal(k2, (VOCAB, EMBED_DIM), dtype=jnp.float32) * 0.02
    # weights embedding table, xavier_normal for shape (VOCAB, 1): std = sqrt(2/(VOCAB+1))
    std = float(np.sqrt(2.0 / (VOCAB + 1)))
    weight_table = jax.random.normal(k3, (VOCAB, 1), dtype=jnp.float32) * std
    return {"desc": desc, "word_table": word_table, "weight_table": weight_table}


def reference(desc, word_table, weight_table):
    # word_embeds(desc): gather -> [B, L, D]
    desc_tokens = jnp.take(word_table, desc, axis=0)
    # weights(desc): gather -> [B, L, 1]
    token_weights = jnp.take(weight_table, desc, axis=0)
    # softmax over sequence dim (dim=1)
    normalized_weights = jax.nn.softmax(token_weights, axis=1)
    # weighted sum over sequence dim -> [B, D]
    return jnp.sum(normalized_weights * desc_tokens, axis=1)

if __name__ == "__main__":
    import jax
    _d = setup_inputs()
    print(jax.jit(kernel)(*tuple(_d.values())))

</pallas_src>

<mosaic_0001>
#map = affine_map<(d0, d1) -> (0, 0)>
#map1 = affine_map<(d0, d1) -> (0)>
module attributes {stable_mosaic.version = 14 : i64} {
  func.func @_tbody(%arg0: i32, %arg1: i32, %arg2: memref<32x1000000xf32, #tpu.memory_space<hbm>>, %arg3: memref<2048xf32, #tpu.memory_space<hbm>>, %arg4: memref<32000000xf32, #tpu.memory_space<hbm>>, %arg5: memref<32x512xf32, #tpu.memory_space<vmem>>, %arg6: memref<32x512xf32, #tpu.memory_space<vmem>>, %arg7: memref<16384xf32, #tpu.memory_space<vmem>>, %arg8: memref<16384xf32, #tpu.memory_space<vmem>>, %arg9: memref<!tpu.dma_semaphore, #tpu.memory_space<semaphore_mem>>, %arg10: memref<!tpu.dma_semaphore, #tpu.memory_space<semaphore_mem>>) attributes {dimension_semantics = [#tpu.dimension_semantics<core_parallel>, #tpu.dimension_semantics<subcore_parallel>], iteration_bounds = array<i64: 2, 16>, scalar_prefetch = 0 : i64, scratch_operands = 6 : i64, tpu.core_type = #tpu.core_type<sc_vector_subcore>, window_params = [{transform_indices = #map}, {transform_indices = #map1}, {transform_indices = #map1}]} {
    %mul3A = arith.constant 2 : i32
    %mul3A_0 = arith.muli %arg1, %mul3A : i32
    %add3A = arith.addi %mul3A_0, %arg0 : i32
    %iota3A = tpu.iota {dimensions = array<i32: 0>} : vector<16xi32>
    %eq3A = arith.constant 0 : i32
    %eq3A_1 = arith.cmpi eq, %add3A, %eq3A : i32
    %convert_element_type3A = arith.extui %eq3A_1 : i1 to i32
    %cond3A = arith.constant 0 : i32
    %cond3A_2 = arith.cmpi ne, %convert_element_type3A, %cond3A : i32
    scf.if %cond3A_2 {
      "tpu.region"() ({
        %run_scoped3A = tpu.sem_alloc : memref<!tpu.dma_semaphore, #tpu.memory_space<semaphore_mem>>
        %dma_start3A_45 = arith.constant 0 : i32
        %dma_start3A_46 = tpu.memref_slice %arg7[%dma_start3A_45] : memref<16384xf32, #tpu.memory_space<vmem>> -> memref<2048xf32, #tpu.memory_space<vmem>>
        %dma_start3A_47 = arith.constant 0 : i32
        %dma_start3A_48 = tpu.memref_slice %arg7[%dma_start3A_47] : memref<16384xf32, #tpu.memory_space<vmem>> -> memref<2048xf32, #tpu.memory_space<vmem>>
        tpu.enqueue_dma source(%arg3 : memref<2048xf32, #tpu.memory_space<hbm>>) target(%dma_start3A_48 : memref<2048xf32, #tpu.memory_space<vmem>>) target_semaphore(%run_scoped3A : memref<!tpu.dma_semaphore, #tpu.memory_space<semaphore_mem>>)
        %dma_wait3A_49 = arith.constant 0 : i32
        %dma_wait3A_50 = tpu.memref_slice %arg7[%dma_wait3A_49] : memref<16384xf32, #tpu.memory_space<vmem>> -> memref<2048xf32, #tpu.memory_space<vmem>>
        %dma_wait3A_51 = arith.constant 0 : i32
        %dma_wait3A_52 = tpu.memref_slice %arg7[%dma_wait3A_51] : memref<16384xf32, #tpu.memory_space<vmem>> -> memref<2048xf32, #tpu.memory_space<vmem>>
        tpu.wait_dma2 semaphore(%run_scoped3A : memref<!tpu.dma_semaphore, #tpu.memory_space<semaphore_mem>>) src(%arg3 : memref<2048xf32, #tpu.memory_space<hbm>>) dst(%dma_wait3A_52 : memref<2048xf32, #tpu.memory_space<vmem>>)
        tpu.yield
      }) : () -> ()
      "tpu.region"() ({
        %run_scoped3A = tpu.sem_alloc : memref<!tpu.dma_semaphore, #tpu.memory_space<semaphore_mem>>
        %dma_start3A_45 = arith.constant 0 : i32
        %dma_start3A_46 = tpu.memref_slice %arg7[%dma_start3A_45] : memref<16384xf32, #tpu.memory_space<vmem>> -> memref<2048xf32, #tpu.memory_space<vmem>>
        %dma_start3A_47 = arith.constant 31997952 : i32
        %dma_start3A_48 = tpu.memref_slice %arg4[%dma_start3A_47] : memref<32000000xf32, #tpu.memory_space<hbm>> -> memref<2048xf32, #tpu.memory_space<hbm>>
        %dma_start3A_49 = arith.constant 31997952 : i32
        %dma_start3A_50 = tpu.memref_slice %arg4[%dma_start3A_49] : memref<32000000xf32, #tpu.memory_space<hbm>> -> memref<2048xf32, #tpu.memory_space<hbm>>
        %dma_start3A_51 = arith.constant 0 : i32
        %dma_start3A_52 = tpu.memref_slice %arg7[%dma_start3A_51] : memref<16384xf32, #tpu.memory_space<vmem>> -> memref<2048xf32, #tpu.memory_space<vmem>>
        tpu.enqueue_dma source(%dma_start3A_52 : memref<2048xf32, #tpu.memory_space<vmem>>) target(%dma_start3A_50 : memref<2048xf32, #tpu.memory_space<hbm>>) target_semaphore(%run_scoped3A : memref<!tpu.dma_semaphore, #tpu.memory_space<semaphore_mem>>)
        %dma_wait3A_53 = arith.constant 0 : i32
        %dma_wait3A_54 = tpu.memref_slice %arg7[%dma_wait3A_53] : memref<16384xf32, #tpu.memory_space<vmem>> -> memref<2048xf32, #tpu.memory_space<vmem>>
        %dma_wait3A_55 = arith.constant 31997952 : i32
        %dma_wait3A_56 = tpu.memref_slice %arg4[%dma_wait3A_55] : memref<32000000xf32, #tpu.memory_space<hbm>> -> memref<2048xf32, #tpu.memory_space<hbm>>
        %dma_wait3A_57 = arith.constant 31997952 : i32
        %dma_wait3A_58 = tpu.memref_slice %arg4[%dma_wait3A_57] : memref<32000000xf32, #tpu.memory_space<hbm>> -> memref<2048xf32, #tpu.memory_space<hbm>>
        %dma_wait3A_59 = arith.constant 0 : i32
        %dma_wait3A_60 = tpu.memref_slice %arg7[%dma_wait3A_59] : memref<16384xf32, #tpu.memory_space<vmem>> -> memref<2048xf32, #tpu.memory_space<vmem>>
        tpu.wait_dma2 semaphore(%run_scoped3A : memref<!tpu.dma_semaphore, #tpu.memory_space<semaphore_mem>>) src(%dma_wait3A_60 : memref<2048xf32, #tpu.memory_space<vmem>>) dst(%dma_wait3A_58 : memref<2048xf32, #tpu.memory_space<hbm>>)
        tpu.yield
      }) : () -> ()
    } else {
    }
    %add3A_3 = arith.constant 0 : i32
    %add3A_4 = arith.addi %add3A, %add3A_3 : i32
    %mul3A_5 = arith.constant 512 : i32
    %mul3A_6 = arith.muli %add3A_4, %mul3A_5 : i32
    %dma_start3A = arith.constant 0 : i32
    %dma_start3A_7 = tpu.memref_slice %arg2[%dma_start3A, %mul3A_6] : memref<32x1000000xf32, #tpu.memory_space<hbm>> -> memref<32x512xf32, #tpu.memory_space<hbm>>
    %dma_start3A_8 = arith.constant 0 : i32
    %dma_start3A_9 = tpu.memref_slice %arg2[%dma_start3A_8, %mul3A_6] : memref<32x1000000xf32, #tpu.memory_space<hbm>> -> memref<32x512xf32, #tpu.memory_space<hbm>>
    tpu.enqueue_dma source(%dma_start3A_9 : memref<32x512xf32, #tpu.memory_space<hbm>>) target(%arg5 : memref<32x512xf32, #tpu.memory_space<vmem>>) target_semaphore(%arg9 : memref<!tpu.dma_semaphore, #tpu.memory_space<semaphore_mem>>)
    %scan3A = arith.constant 0 : i32
    %scan3A_10 = arith.constant 0 : i32
    %scan3A_11 = arith.constant 30 : i32
    %scan3A_12 = arith.addi %scan3A_10, %scan3A_11 : i32
    %scan3A_13 = arith.constant 1 : i32
    scf.for %scan3A_45 = %scan3A_10 to %scan3A_12 step %scan3A_13  : i32 {
      %mul3A_46 = arith.constant 2 : i32
      %mul3A_47 = arith.muli %mul3A_46, %scan3A_45 : i32
      %mul3A_48 = arith.constant 2 : i32
      %mul3A_49 = arith.muli %mul3A_48, %scan3A_45 : i32
      %add3A_50 = arith.constant 1 : i32
      %add3A_51 = arith.addi %mul3A_49, %add3A_50 : i32
      %mul3A_52 = arith.constant 32 : i32
      %mul3A_53 = arith.muli %mul3A_52, %add3A_51 : i32
      %add3A_54 = arith.addi %add3A, %mul3A_53 : i32
      %mul3A_55 = arith.constant 512 : i32
      %mul3A_56 = arith.muli %add3A_54, %mul3A_55 : i32
      %dma_start3A_57 = arith.constant 0 : i32
      %dma_start3A_58 = tpu.memref_slice %arg2[%dma_start3A_57, %mul3A_56] : memref<32x1000000xf32, #tpu.memory_space<hbm>> -> memref<32x512xf32, #tpu.memory_space<hbm>>
      %dma_start3A_59 = arith.constant 0 : i32
      %dma_start3A_60 = tpu.memref_slice %arg2[%dma_start3A_59, %mul3A_56] : memref<32x1000000xf32, #tpu.memory_space<hbm>> -> memref<32x512xf32, #tpu.memory_space<hbm>>
      tpu.enqueue_dma source(%dma_start3A_60 : memref<32x512xf32, #tpu.memory_space<hbm>>) target(%arg6 : memref<32x512xf32, #tpu.memory_space<vmem>>) target_semaphore(%arg9 : memref<!tpu.dma_semaphore, #tpu.memory_space<semaphore_mem>>)
      %dma_wait3A_61 = arith.constant 0 : i32
      %dma_wait3A_62 = arith.constant 0 : i32
      %dma_wait3A_63 = tpu.memref_slice %arg2[%dma_wait3A_61, %dma_wait3A_62] : memref<32x1000000xf32, #tpu.memory_space<hbm>> -> memref<32x512xf32, #tpu.memory_space<hbm>>
      %dma_wait3A_64 = arith.constant 0 : i32
      %dma_wait3A_65 = arith.constant 0 : i32
      %dma_wait3A_66 = tpu.memref_slice %arg2[%dma_wait3A_64, %dma_wait3A_65] : memref<32x1000000xf32, #tpu.memory_space<hbm>> -> memref<32x512xf32, #tpu.memory_space<hbm>>
      tpu.wait_dma2 semaphore(%arg9 : memref<!tpu.dma_semaphore, #tpu.memory_space<semaphore_mem>>) src(%dma_wait3A_66 : memref<32x512xf32, #tpu.memory_space<hbm>>) dst(%arg5 : memref<32x512xf32, #tpu.memory_space<vmem>>)
      %gt3A = arith.constant 0 : i32
      %gt3A_67 = arith.cmpi sgt, %scan3A_45, %gt3A : i32
      %convert_element_type3A_68 = arith.extui %gt3A_67 : i1 to i32
      %cond3A_69 = arith.constant 0 : i32
      %cond3A_70 = arith.cmpi ne, %convert_element_type3A_68, %cond3A_69 : i32
      scf.if %cond3A_70 {
        %dma_wait3A_113 = arith.constant 0 : i32
        %dma_wait3A_114 = tpu.memref_slice %arg4[%dma_wait3A_113] : memref<32000000xf32, #tpu.memory_space<hbm>> -> memref<16384xf32, #tpu.memory_space<hbm>>
        %dma_wait3A_115 = arith.constant 0 : i32
        %dma_wait3A_116 = tpu.memref_slice %arg4[%dma_wait3A_115] : memref<32000000xf32, #tpu.memory_space<hbm>> -> memref<16384xf32, #tpu.memory_space<hbm>>
        tpu.wait_dma2 semaphore(%arg10 : memref<!tpu.dma_semaphore, #tpu.memory_space<semaphore_mem>>) src(%dma_wait3A_116 : memref<16384xf32, #tpu.memory_space<hbm>>) dst(%arg7 : memref<16384xf32, #tpu.memory_space<vmem>>)
      } else {
      }
      %parallel_loop3A_71 = arith.constant 0 : i32
      %parallel_loop3A_72 = arith.constant 128 : i32
      %parallel_loop3A_73 = arith.constant 1 : i32
      scf.for %parallel_loop3A_113 = %parallel_loop3A_71 to %parallel_loop3A_72 step %parallel_loop3A_73  : i32 {
        %parallel_loop3A_114 = arith.constant 128 : i32
        %parallel_loop3A_115 = arith.muli %parallel_loop3A_113, %parallel_loop3A_114 : i32
        %parallel_loop3A_116 = arith.constant 5 : i32
        %parallel_loop3A_117 = arith.shrui %parallel_loop3A_113, %parallel_loop3A_116 : i32
        %parallel_loop3A_118 = arith.constant 7 : i32
        %parallel_loop3A_119 = arith.shli %parallel_loop3A_117, %parallel_loop3A_118 : i32
        %parallel_loop3A_120 = arith.constant 31 : i32
        %parallel_loop3A_121 = arith.andi %parallel_loop3A_113, %parallel_loop3A_120 : i32
        %parallel_loop3A_122 = arith.constant 2 : i32
        %parallel_loop3A_123 = arith.shli %parallel_loop3A_121, %parallel_loop3A_122 : i32
        %parallel_loop3A_124 = arith.addi %parallel_loop3A_119, %parallel_loop3A_123 : i32
        %parallel_loop3A_125 = arith.constant 0 : i32
        %parallel_loop3A_126 = arith.addi %parallel_loop3A_124, %parallel_loop3A_125 : i32
        %parallel_loop3A_127 = vector.broadcast %parallel_loop3A_126 : i32 to vector<16xi32>
        %parallel_loop3A_128 = arith.constant 0 : i32
        %parallel_loop3A_129 = vector.broadcast %parallel_loop3A_128 : i32 to vector<16xi32>
        %parallel_loop3A_130 = arith.addi %parallel_loop3A_129, %iota3A : vector<16xi32>
        %parallel_loop3A_131 = tpu.vector_load_idx %arg5[%parallel_loop3A_130, %parallel_loop3A_127] : memref<32x512xf32, #tpu.memory_space<vmem>>[vector<16xi32>, vector<16xi32>], vector<16xf32>,
        %parallel_loop3A_132 = arith.constant 0 : i32
        %parallel_loop3A_133 = arith.addi %parallel_loop3A_115, %parallel_loop3A_132 : i32
        %parallel_loop3A_134 = arith.constant 0 : i32
        %parallel_loop3A_135 = arith.addi %parallel_loop3A_133, %parallel_loop3A_134 : i32
        %parallel_loop3A_136 = arith.index_cast %parallel_loop3A_135 : i32 to index
        %parallel_loop3A_137 = tpu.vector_load %arg7[%parallel_loop3A_136] {strides = array<i32>} : memref<16384xf32, #tpu.memory_space<vmem>>, vector<16xf32>,
        tpu.vector_store %arg7[%parallel_loop3A_136], %parallel_loop3A_131 {strides = array<i32>} : memref<16384xf32, #tpu.memory_space<vmem>>, vector<16xf32>,
        %parallel_loop3A_138 = arith.constant 16 : i32
        %parallel_loop3A_139 = vector.broadcast %parallel_loop3A_138 : i32 to vector<16xi32>
        %parallel_loop3A_140 = arith.addi %parallel_loop3A_139, %iota3A : vector<16xi32>
        %parallel_loop3A_141 = tpu.vector_load_idx %arg5[%parallel_loop3A_140, %parallel_loop3A_127] : memref<32x512xf32, #tpu.memory_space<vmem>>[vector<16xi32>, vector<16xi32>], vector<16xf32>,
        %parallel_loop3A_142 = arith.constant 0 : i32
        %parallel_loop3A_143 = arith.addi %parallel_loop3A_115, %parallel_loop3A_142 : i32
        %parallel_loop3A_144 = arith.constant 16 : i32
        %parallel_loop3A_145 = arith.addi %parallel_loop3A_143, %parallel_loop3A_144 : i32
        %parallel_loop3A_146 = arith.index_cast %parallel_loop3A_145 : i32 to index
        %parallel_loop3A_147 = tpu.vector_load %arg7[%parallel_loop3A_146] {strides = array<i32>} : memref<16384xf32, #tpu.memory_space<vmem>>, vector<16xf32>,
        tpu.vector_store %arg7[%parallel_loop3A_146], %parallel_loop3A_141 {strides = array<i32>} : memref<16384xf32, #tpu.memory_space<vmem>>, vector<16xf32>,
        %parallel_loop3A_148 = arith.constant 1 : i32
        %parallel_loop3A_149 = arith.addi %parallel_loop3A_124, %parallel_loop3A_148 : i32
        %parallel_loop3A_150 = vector.broadcast %parallel_loop3A_149 : i32 to vector<16xi32>
        %parallel_loop3A_151 = arith.constant 0 : i32
        %parallel_loop3A_152 = vector.broadcast %parallel_loop3A_151 : i32 to vector<16xi32>
        %parallel_loop3A_153 = arith.addi %parallel_loop3A_152, %iota3A : vector<16xi32>
        %parallel_loop3A_154 = tpu.vector_load_idx %arg5[%parallel_loop3A_153, %parallel_loop3A_150] : memref<32x512xf32, #tpu.memory_space<vmem>>[vector<16xi32>, vector<16xi32>], vector<16xf32>,
        %parallel_loop3A_155 = arith.constant 32 : i32
        %parallel_loop3A_156 = arith.addi %parallel_loop3A_115, %parallel_loop3A_155 : i32
        %parallel_loop3A_157 = arith.constant 0 : i32
        %parallel_loop3A_158 = arith.addi %parallel_loop3A_156, %parallel_loop3A_157 : i32
        %parallel_loop3A_159 = arith.index_cast %parallel_loop3A_158 : i32 to index
        %parallel_loop3A_160 = tpu.vector_load %arg7[%parallel_loop3A_159] {strides = array<i32>} : memref<16384xf32, #tpu.memory_space<vmem>>, vector<16xf32>,
        tpu.vector_store %arg7[%parallel_loop3A_159], %parallel_loop3A_154 {strides = array<i32>} : memref<16384xf32, #tpu.memory_space<vmem>>, vector<16xf32>,
        %parallel_loop3A_161 = arith.constant 16 : i32
        %parallel_loop3A_162 = vector.broadcast %parallel_loop3A_161 : i32 to vector<16xi32>
        %parallel_loop3A_163 = arith.addi %parallel_loop3A_162, %iota3A : vector<16xi32>
        %parallel_loop3A_164 = tpu.vector_load_idx %arg5[%parallel_loop3A_163, %parallel_loop3A_150] : memref<32x512xf32, #tpu.memory_space<vmem>>[vector<16xi32>, vector<16xi32>], vector<16xf32>,
        %parallel_loop3A_165 = arith.constant 32 : i32
        %parallel_loop3A_166 = arith.addi %parallel_loop3A_115, %parallel_loop3A_165 : i32
        %parallel_loop3A_167 = arith.constant 16 : i32
        %parallel_loop3A_168 = arith.addi %parallel_loop3A_166, %parallel_loop3A_167 : i32
        %parallel_loop3A_169 = arith.index_cast %parallel_loop3A_168 : i32 to index
        %parallel_loop3A_170 = tpu.vector_load %arg7[%parallel_loop3A_169] {strides = array<i32>} : memref<16384xf32, #tpu.memory_space<vmem>>, vector<16xf32>,
        tpu.vector_store %arg7[%parallel_loop3A_169], %parallel_loop3A_164 {strides = array<i32>} : memref<16384xf32, #tpu.memory_space<vmem>>, vector<16xf32>,
        %parallel_loop3A_171 = arith.constant 2 : i32
        %parallel_loop3A_172 = arith.addi %parallel_loop3A_124, %parallel_loop3A_171 : i32
        %parallel_loop3A_173 = vector.broadcast %parallel_loop3A_172 : i32 to vector<16xi32>
        %parallel_loop3A_174 = arith.constant 0 : i32
        %parallel_loop3A_175 = vector.broadcast %parallel_loop3A_174 : i32 to vector<16xi32>
        %parallel_loop3A_176 = arith.addi %parallel_loop3A_175, %iota3A : vector<16xi32>
        %parallel_loop3A_177 = tpu.vector_load_idx %arg5[%parallel_loop3A_176, %parallel_loop3A_173] : memref<32x512xf32, #tpu.memory_space<vmem>>[vector<16xi32>, vector<16xi32>], vector<16xf32>,
        %parallel_loop3A_178 = arith.constant 64 : i32
        %parallel_loop3A_179 = arith.addi %parallel_loop3A_115, %parallel_loop3A_178 : i32
        %parallel_loop3A_180 = arith.constant 0 : i32
        %parallel_loop3A_181 = arith.addi %parallel_loop3A_179, %parallel_loop3A_180 : i32
        %parallel_loop3A_182 = arith.index_cast %parallel_loop3A_181 : i32 to index
        %parallel_loop3A_183 = tpu.vector_load %arg7[%parallel_loop3A_182] {strides = array<i32>} : memref<16384xf32, #tpu.memory_space<vmem>>, vector<16xf32>,
        tpu.vector_store %arg7[%parallel_loop3A_182], %parallel_loop3A_177 {strides = array<i32>} : memref<16384xf32, #tpu.memory_space<vmem>>, vector<16xf32>,
        %parallel_loop3A_184 = arith.constant 16 : i32
        %parallel_loop3A_185 = vector.broadcast %parallel_loop3A_184 : i32 to vector<16xi32>
        %parallel_loop3A_186 = arith.addi %parallel_loop3A_185, %iota3A : vector<16xi32>
        %parallel_loop3A_187 = tpu.vector_load_idx %arg5[%parallel_loop3A_186, %parallel_loop3A_173] : memref<32x512xf32, #tpu.memory_space<vmem>>[vector<16xi32>, vector<16xi32>], vector<16xf32>,
        %parallel_loop3A_188 = arith.constant 64 : i32
        %parallel_loop3A_189 = arith.addi %parallel_loop3A_115, %parallel_loop3A_188 : i32
        %parallel_loop3A_190 = arith.constant 16 : i32
        %parallel_loop3A_191 = arith.addi %parallel_loop3A_189, %parallel_loop3A_190 : i32
        %parallel_loop3A_192 = arith.index_cast %parallel_loop3A_191 : i32 to index
        %parallel_loop3A_193 = tpu.vector_load %arg7[%parallel_loop3A_192] {strides = array<i32>} : memref<16384xf32, #tpu.memory_space<vmem>>, vector<16xf32>,
        tpu.vector_store %arg7[%parallel_loop3A_192], %parallel_loop3A_187 {strides = array<i32>} : memref<16384xf32, #tpu.memory_space<vmem>>, vector<16xf32>,
        %parallel_loop3A_194 = arith.constant 3 : i32
        %parallel_loop3A_195 = arith.addi %parallel_loop3A_124, %parallel_loop3A_194 : i32
        %parallel_loop3A_196 = vector.broadcast %parallel_loop3A_195 : i32 to vector<16xi32>
        %parallel_loop3A_197 = arith.constant 0 : i32
        %parallel_loop3A_198 = vector.broadcast %parallel_loop3A_197 : i32 to vector<16xi32>
        %parallel_loop3A_199 = arith.addi %parallel_loop3A_198, %iota3A : vector<16xi32>
        %parallel_loop3A_200 = tpu.vector_load_idx %arg5[%parallel_loop3A_199, %parallel_loop3A_196] : memref<32x512xf32, #tpu.memory_space<vmem>>[vector<16xi32>, vector<16xi32>], vector<16xf32>,
        %parallel_loop3A_201 = arith.constant 96 : i32
        %parallel_loop3A_202 = arith.addi %parallel_loop3A_115, %parallel_loop3A_201 : i32
        %parallel_loop3A_203 = arith.constant 0 : i32
        %parallel_loop3A_204 = arith.addi %parallel_loop3A_202, %parallel_loop3A_203 : i32
        %parallel_loop3A_205 = arith.index_cast %parallel_loop3A_204 : i32 to index
        %parallel_loop3A_206 = tpu.vector_load %arg7[%parallel_loop3A_205] {strides = array<i32>} : memref<16384xf32, #tpu.memory_space<vmem>>, vector<16xf32>,
        tpu.vector_store %arg7[%parallel_loop3A_205], %parallel_loop3A_200 {strides = array<i32>} : memref<16384xf32, #tpu.memory_space<vmem>>, vector<16xf32>,
        %parallel_loop3A_207 = arith.constant 16 : i32
        %parallel_loop3A_208 = vector.broadcast %parallel_loop3A_207 : i32 to vector<16xi32>
        %parallel_loop3A_209 = arith.addi %parallel_loop3A_208, %iota3A : vector<16xi32>
        %parallel_loop3A_210 = tpu.vector_load_idx %arg5[%parallel_loop3A_209, %parallel_loop3A_196] : memref<32x512xf32, #tpu.memory_space<vmem>>[vector<16xi32>, vector<16xi32>], vector<16xf32>,
        %parallel_loop3A_211 = arith.constant 96 : i32
        %parallel_loop3A_212 = arith.addi %parallel_loop3A_115, %parallel_loop3A_211 : i32
        %parallel_loop3A_213 = arith.constant 16 : i32
        %parallel_loop3A_214 = arith.addi %parallel_loop3A_212, %parallel_loop3A_213 : i32
        %parallel_loop3A_215 = arith.index_cast %parallel_loop3A_214 : i32 to index
        %parallel_loop3A_216 = tpu.vector_load %arg7[%parallel_loop3A_215] {strides = array<i32>} : memref<16384xf32, #tpu.memory_space<vmem>>, vector<16xf32>,
        tpu.vector_store %arg7[%parallel_loop3A_215], %parallel_loop3A_210 {strides = array<i32>} : memref<16384xf32, #tpu.memory_space<vmem>>, vector<16xf32>,
      } {sc.loop_unroll_factor = 4 : i64, sc.parallel_access}
      %mul3A_74 = arith.constant 32 : i32
      %mul3A_75 = arith.muli %mul3A_74, %mul3A_47 : i32
      %add3A_76 = arith.addi %add3A, %mul3A_75 : i32
      %mul3A_77 = arith.constant 16384 : i32
      %mul3A_78 = arith.muli %add3A_76, %mul3A_77 : i32
      %dma_start3A_79 = tpu.memref_slice %arg4[%mul3A_78] : memref<32000000xf32, #tpu.memory_space<hbm>> -> memref<16384xf32, #tpu.memory_space<hbm>>
      %dma_start3A_80 = tpu.memref_slice %arg4[%mul3A_78] : memref<32000000xf32, #tpu.memory_space<hbm>> -> memref<16384xf32, #tpu.memory_space<hbm>>
      tpu.enqueue_dma source(%arg7 : memref<16384xf32, #tpu.memory_space<vmem>>) target(%dma_start3A_80 : memref<16384xf32, #tpu.memory_space<hbm>>) target_semaphore(%arg10 : memref<!tpu.dma_semaphore, #tpu.memory_space<semaphore_mem>>)
      %add3A_81 = arith.constant 2 : i32
      %add3A_82 = arith.addi %mul3A_47, %add3A_81 : i32
      %mul3A_83 = arith.constant 32 : i32
      %mul3A_84 = arith.muli %mul3A_83, %add3A_82 : i32
      %add3A_85 = arith.addi %add3A, %mul3A_84 : i32
      %mul3A_86 = arith.constant 512 : i32
      %mul3A_87 = arith.muli %add3A_85, %mul3A_86 : i32
      %dma_start3A_88 = arith.constant 0 : i32
      %dma_start3A_89 = tpu.memref_slice %arg2[%dma_start3A_88, %mul3A_87] : memref<32x1000000xf32, #tpu.memory_space<hbm>> -> memref<32x512xf32, #tpu.memory_space<hbm>>
      %dma_start3A_90 = arith.constant 0 : i32
      %dma_start3A_91 = tpu.memref_slice %arg2[%dma_start3A_90, %mul3A_87] : memref<32x1000000xf32, #tpu.memory_space<hbm>> -> memref<32x512xf32, #tpu.memory_space<hbm>>
      tpu.enqueue_dma source(%dma_start3A_91 : memref<32x512xf32, #tpu.memory_space<hbm>>) target(%arg5 : memref<32x512xf32, #tpu.memory_space<vmem>>) target_semaphore(%arg9 : memref<!tpu.dma_semaphore, #tpu.memory_space<semaphore_mem>>)
      %dma_wait3A_92 = arith.constant 0 : i32
      %dma_wait3A_93 = arith.constant 0 : i32
      %dma_wait3A_94 = tpu.memref_slice %arg2[%dma_wait3A_92, %dma_wait3A_93] : memref<32x1000000xf32, #tpu.memory_space<hbm>> -> memref<32x512xf32, #tpu.memory_space<hbm>>
      %dma_wait3A_95 = arith.constant 0 : i32
      %dma_wait3A_96 = arith.constant 0 : i32
      %dma_wait3A_97 = tpu.memref_slice %arg2[%dma_wait3A_95, %dma_wait3A_96] : memref<32x1000000xf32, #tpu.memory_space<hbm>> -> memref<32x512xf32, #tpu.memory_space<hbm>>
      tpu.wait_dma2 semaphore(%arg9 : memref<!tpu.dma_semaphore, #tpu.memory_space<semaphore_mem>>) src(%dma_wait3A_97 : memref<32x512xf32, #tpu.memory_space<hbm>>) dst(%arg6 : memref<32x512xf32, #tpu.memory_space<vmem>>)
      %gt3A_98 = arith.constant 0 : i32
      %gt3A_99 = arith.cmpi sgt, %scan3A_45, %gt3A_98 : i32
      %convert_element_type3A_100 = arith.extui %gt3A_99 : i1 to i32
      %cond3A_101 = arith.constant 0 : i32
      %cond3A_102 = arith.cmpi ne, %convert_element_type3A_100, %cond3A_101 : i32
      scf.if %cond3A_102 {
        %dma_wait3A_113 = arith.constant 0 : i32
        %dma_wait3A_114 = tpu.memref_slice %arg4[%dma_wait3A_113] : memref<32000000xf32, #tpu.memory_space<hbm>> -> memref<16384xf32, #tpu.memory_space<hbm>>
        %dma_wait3A_115 = arith.constant 0 : i32
        %dma_wait3A_116 = tpu.memref_slice %arg4[%dma_wait3A_115] : memref<32000000xf32, #tpu.memory_space<hbm>> -> memref<16384xf32, #tpu.memory_space<hbm>>
        tpu.wait_dma2 semaphore(%arg10 : memref<!tpu.dma_semaphore, #tpu.memory_space<semaphore_mem>>) src(%dma_wait3A_116 : memref<16384xf32, #tpu.memory_space<hbm>>) dst(%arg8 : memref<16384xf32, #tpu.memory_space<vmem>>)
      } else {
      }
      %parallel_loop3A_103 = arith.constant 0 : i32
      %parallel_loop3A_104 = arith.constant 128 : i32
      %parallel_loop3A_105 = arith.constant 1 : i32
      scf.for %parallel_loop3A_113 = %parallel_loop3A_103 to %parallel_loop3A_104 step %parallel_loop3A_105  : i32 {
        %parallel_loop3A_114 = arith.constant 128 : i32
        %parallel_loop3A_115 = arith.muli %parallel_loop3A_113, %parallel_loop3A_114 : i32
        %parallel_loop3A_116 = arith.constant 5 : i32
        %parallel_loop3A_117 = arith.shrui %parallel_loop3A_113, %parallel_loop3A_116 : i32
        %parallel_loop3A_118 = arith.constant 7 : i32
        %parallel_loop3A_119 = arith.shli %parallel_loop3A_117, %parallel_loop3A_118 : i32
        %parallel_loop3A_120 = arith.constant 31 : i32
        %parallel_loop3A_121 = arith.andi %parallel_loop3A_113, %parallel_loop3A_120 : i32
        %parallel_loop3A_122 = arith.constant 2 : i32
        %parallel_loop3A_123 = arith.shli %parallel_loop3A_121, %parallel_loop3A_122 : i32
        %parallel_loop3A_124 = arith.addi %parallel_loop3A_119, %parallel_loop3A_123 : i32
        %parallel_loop3A_125 = arith.constant 0 : i32
        %parallel_loop3A_126 = arith.addi %parallel_loop3A_124, %parallel_loop3A_125 : i32
        %parallel_loop3A_127 = vector.broadcast %parallel_loop3A_126 : i32 to vector<16xi32>
        %parallel_loop3A_128 = arith.constant 0 : i32
        %parallel_loop3A_129 = vector.broadcast %parallel_loop3A_128 : i32 to vector<16xi32>
        %parallel_loop3A_130 = arith.addi %parallel_loop3A_129, %iota3A : vector<16xi32>
        %parallel_loop3A_131 = tpu.vector_load_idx %arg6[%parallel_loop3A_130, %parallel_loop3A_127] : memref<32x512xf32, #tpu.memory_space<vmem>>[vector<16xi32>, vector<16xi32>], vector<16xf32>,
        %parallel_loop3A_132 = arith.constant 0 : i32
        %parallel_loop3A_133 = arith.addi %parallel_loop3A_115, %parallel_loop3A_132 : i32
        %parallel_loop3A_134 = arith.constant 0 : i32
        %parallel_loop3A_135 = arith.addi %parallel_loop3A_133, %parallel_loop3A_134 : i32
        %parallel_loop3A_136 = arith.index_cast %parallel_loop3A_135 : i32 to index
        %parallel_loop3A_137 = tpu.vector_load %arg8[%parallel_loop3A_136] {strides = array<i32>} : memref<16384xf32, #tpu.memory_space<vmem>>, vector<16xf32>,
        tpu.vector_store %arg8[%parallel_loop3A_136], %parallel_loop3A_131 {strides = array<i32>} : memref<16384xf32, #tpu.memory_space<vmem>>, vector<16xf32>,
        %parallel_loop3A_138 = arith.constant 16 : i32
        %parallel_loop3A_139 = vector.broadcast %parallel_loop3A_138 : i32 to vector<16xi32>
        %parallel_loop3A_140 = arith.addi %parallel_loop3A_139, %iota3A : vector<16xi32>
        %parallel_loop3A_141 = tpu.vector_load_idx %arg6[%parallel_loop3A_140, %parallel_loop3A_127] : memref<32x512xf32, #tpu.memory_space<vmem>>[vector<16xi32>, vector<16xi32>], vector<16xf32>,
        %parallel_loop3A_142 = arith.constant 0 : i32
        %parallel_loop3A_143 = arith.addi %parallel_loop3A_115, %parallel_loop3A_142 : i32
        %parallel_loop3A_144 = arith.constant 16 : i32
        %parallel_loop3A_145 = arith.addi %parallel_loop3A_143, %parallel_loop3A_144 : i32
        %parallel_loop3A_146 = arith.index_cast %parallel_loop3A_145 : i32 to index
        %parallel_loop3A_147 = tpu.vector_load %arg8[%parallel_loop3A_146] {strides = array<i32>} : memref<16384xf32, #tpu.memory_space<vmem>>, vector<16xf32>,
        tpu.vector_store %arg8[%parallel_loop3A_146], %parallel_loop3A_141 {strides = array<i32>} : memref<16384xf32, #tpu.memory_space<vmem>>, vector<16xf32>,
        %parallel_loop3A_148 = arith.constant 1 : i32
        %parallel_loop3A_149 = arith.addi %parallel_loop3A_124, %parallel_loop3A_148 : i32
        %parallel_loop3A_150 = vector.broadcast %parallel_loop3A_149 : i32 to vector<16xi32>
        %parallel_loop3A_151 = arith.constant 0 : i32
        %parallel_loop3A_152 = vector.broadcast %parallel_loop3A_151 : i32 to vector<16xi32>
        %parallel_loop3A_153 = arith.addi %parallel_loop3A_152, %iota3A : vector<16xi32>
        %parallel_loop3A_154 = tpu.vector_load_idx %arg6[%parallel_loop3A_153, %parallel_loop3A_150] : memref<32x512xf32, #tpu.memory_space<vmem>>[vector<16xi32>, vector<16xi32>], vector<16xf32>,
        %parallel_loop3A_155 = arith.constant 32 : i32
        %parallel_loop3A_156 = arith.addi %parallel_loop3A_115, %parallel_loop3A_155 : i32
        %parallel_loop3A_157 = arith.constant 0 : i32
        %parallel_loop3A_158 = arith.addi %parallel_loop3A_156, %parallel_loop3A_157 : i32
        %parallel_loop3A_159 = arith.index_cast %parallel_loop3A_158 : i32 to index
        %parallel_loop3A_160 = tpu.vector_load %arg8[%parallel_loop3A_159] {strides = array<i32>} : memref<16384xf32, #tpu.memory_space<vmem>>, vector<16xf32>,
        tpu.vector_store %arg8[%parallel_loop3A_159], %parallel_loop3A_154 {strides = array<i32>} : memref<16384xf32, #tpu.memory_space<vmem>>, vector<16xf32>,
        %parallel_loop3A_161 = arith.constant 16 : i32
        %parallel_loop3A_162 = vector.broadcast %parallel_loop3A_161 : i32 to vector<16xi32>
        %parallel_loop3A_163 = arith.addi %parallel_loop3A_162, %iota3A : vector<16xi32>
        %parallel_loop3A_164 = tpu.vector_load_idx %arg6[%parallel_loop3A_163, %parallel_loop3A_150] : memref<32x512xf32, #tpu.memory_space<vmem>>[vector<16xi32>, vector<16xi32>], vector<16xf32>,
        %parallel_loop3A_165 = arith.constant 32 : i32
        %parallel_loop3A_166 = arith.addi %parallel_loop3A_115, %parallel_loop3A_165 : i32
        %parallel_loop3A_167 = arith.constant 16 : i32
        %parallel_loop3A_168 = arith.addi %parallel_loop3A_166, %parallel_loop3A_167 : i32
        %parallel_loop3A_169 = arith.index_cast %parallel_loop3A_168 : i32 to index
        %parallel_loop3A_170 = tpu.vector_load %arg8[%parallel_loop3A_169] {strides = array<i32>} : memref<16384xf32, #tpu.memory_space<vmem>>, vector<16xf32>,
        tpu.vector_store %arg8[%parallel_loop3A_169], %parallel_loop3A_164 {strides = array<i32>} : memref<16384xf32, #tpu.memory_space<vmem>>, vector<16xf32>,
        %parallel_loop3A_171 = arith.constant 2 : i32
        %parallel_loop3A_172 = arith.addi %parallel_loop3A_124, %parallel_loop3A_171 : i32
        %parallel_loop3A_173 = vector.broadcast %parallel_loop3A_172 : i32 to vector<16xi32>
        %parallel_loop3A_174 = arith.constant 0 : i32
        %parallel_loop3A_175 = vector.broadcast %parallel_loop3A_174 : i32 to vector<16xi32>
        %parallel_loop3A_176 = arith.addi %parallel_loop3A_175, %iota3A : vector<16xi32>
        %parallel_loop3A_177 = tpu.vector_load_idx %arg6[%parallel_loop3A_176, %parallel_loop3A_173] : memref<32x512xf32, #tpu.memory_space<vmem>>[vector<16xi32>, vector<16xi32>], vector<16xf32>,
        %parallel_loop3A_178 = arith.constant 64 : i32
        %parallel_loop3A_179 = arith.addi %parallel_loop3A_115, %parallel_loop3A_178 : i32
        %parallel_loop3A_180 = arith.constant 0 : i32
        %parallel_loop3A_181 = arith.addi %parallel_loop3A_179, %parallel_loop3A_180 : i32
        %parallel_loop3A_182 = arith.index_cast %parallel_loop3A_181 : i32 to index
        %parallel_loop3A_183 = tpu.vector_load %arg8[%parallel_loop3A_182] {strides = array<i32>} : memref<16384xf32, #tpu.memory_space<vmem>>, vector<16xf32>,
        tpu.vector_store %arg8[%parallel_loop3A_182], %parallel_loop3A_177 {strides = array<i32>} : memref<16384xf32, #tpu.memory_space<vmem>>, vector<16xf32>,
        %parallel_loop3A_184 = arith.constant 16 : i32
        %parallel_loop3A_185 = vector.broadcast %parallel_loop3A_184 : i32 to vector<16xi32>
        %parallel_loop3A_186 = arith.addi %parallel_loop3A_185, %iota3A : vector<16xi32>
        %parallel_loop3A_187 = tpu.vector_load_idx %arg6[%parallel_loop3A_186, %parallel_loop3A_173] : memref<32x512xf32, #tpu.memory_space<vmem>>[vector<16xi32>, vector<16xi32>], vector<16xf32>,
        %parallel_loop3A_188 = arith.constant 64 : i32
        %parallel_loop3A_189 = arith.addi %parallel_loop3A_115, %parallel_loop3A_188 : i32
        %parallel_loop3A_190 = arith.constant 16 : i32
        %parallel_loop3A_191 = arith.addi %parallel_loop3A_189, %parallel_loop3A_190 : i32
        %parallel_loop3A_192 = arith.index_cast %parallel_loop3A_191 : i32 to index
        %parallel_loop3A_193 = tpu.vector_load %arg8[%parallel_loop3A_192] {strides = array<i32>} : memref<16384xf32, #tpu.memory_space<vmem>>, vector<16xf32>,
        tpu.vector_store %arg8[%parallel_loop3A_192], %parallel_loop3A_187 {strides = array<i32>} : memref<16384xf32, #tpu.memory_space<vmem>>, vector<16xf32>,
        %parallel_loop3A_194 = arith.constant 3 : i32
        %parallel_loop3A_195 = arith.addi %parallel_loop3A_124, %parallel_loop3A_194 : i32
        %parallel_loop3A_196 = vector.broadcast %parallel_loop3A_195 : i32 to vector<16xi32>
        %parallel_loop3A_197 = arith.constant 0 : i32
        %parallel_loop3A_198 = vector.broadcast %parallel_loop3A_197 : i32 to vector<16xi32>
        %parallel_loop3A_199 = arith.addi %parallel_loop3A_198, %iota3A : vector<16xi32>
        %parallel_loop3A_200 = tpu.vector_load_idx %arg6[%parallel_loop3A_199, %parallel_loop3A_196] : memref<32x512xf32, #tpu.memory_space<vmem>>[vector<16xi32>, vector<16xi32>], vector<16xf32>,
        %parallel_loop3A_201 = arith.constant 96 : i32
        %parallel_loop3A_202 = arith.addi %parallel_loop3A_115, %parallel_loop3A_201 : i32
        %parallel_loop3A_203 = arith.constant 0 : i32
        %parallel_loop3A_204 = arith.addi %parallel_loop3A_202, %parallel_loop3A_203 : i32
        %parallel_loop3A_205 = arith.index_cast %parallel_loop3A_204 : i32 to index
        %parallel_loop3A_206 = tpu.vector_load %arg8[%parallel_loop3A_205] {strides = array<i32>} : memref<16384xf32, #tpu.memory_space<vmem>>, vector<16xf32>,
        tpu.vector_store %arg8[%parallel_loop3A_205], %parallel_loop3A_200 {strides = array<i32>} : memref<16384xf32, #tpu.memory_space<vmem>>, vector<16xf32>,
        %parallel_loop3A_207 = arith.constant 16 : i32
        %parallel_loop3A_208 = vector.broadcast %parallel_loop3A_207 : i32 to vector<16xi32>
        %parallel_loop3A_209 = arith.addi %parallel_loop3A_208, %iota3A : vector<16xi32>
        %parallel_loop3A_210 = tpu.vector_load_idx %arg6[%parallel_loop3A_209, %parallel_loop3A_196] : memref<32x512xf32, #tpu.memory_space<vmem>>[vector<16xi32>, vector<16xi32>], vector<16xf32>,
        %parallel_loop3A_211 = arith.constant 96 : i32
        %parallel_loop3A_212 = arith.addi %parallel_loop3A_115, %parallel_loop3A_211 : i32
        %parallel_loop3A_213 = arith.constant 16 : i32
        %parallel_loop3A_214 = arith.addi %parallel_loop3A_212, %parallel_loop3A_213 : i32
        %parallel_loop3A_215 = arith.index_cast %parallel_loop3A_214 : i32 to index
        %parallel_loop3A_216 = tpu.vector_load %arg8[%parallel_loop3A_215] {strides = array<i32>} : memref<16384xf32, #tpu.memory_space<vmem>>, vector<16xf32>,
        tpu.vector_store %arg8[%parallel_loop3A_215], %parallel_loop3A_210 {strides = array<i32>} : memref<16384xf32, #tpu.memory_space<vmem>>, vector<16xf32>,
      } {sc.loop_unroll_factor = 4 : i64, sc.parallel_access}
      %mul3A_106 = arith.constant 32 : i32
      %mul3A_107 = arith.muli %mul3A_106, %add3A_51 : i32
      %add3A_108 = arith.addi %add3A, %mul3A_107 : i32
      %mul3A_109 = arith.constant 16384 : i32
      %mul3A_110 = arith.muli %add3A_108, %mul3A_109 : i32
      %dma_start3A_111 = tpu.memref_slice %arg4[%mul3A_110] : memref<32000000xf32, #tpu.memory_space<hbm>> -> memref<16384xf32, #tpu.memory_space<hbm>>
      %dma_start3A_112 = tpu.memref_slice %arg4[%mul3A_110] : memref<32000000xf32, #tpu.memory_space<hbm>> -> memref<16384xf32, #tpu.memory_space<hbm>>
      tpu.enqueue_dma source(%arg8 : memref<16384xf32, #tpu.memory_space<vmem>>) target(%dma_start3A_112 : memref<16384xf32, #tpu.memory_space<hbm>>) target_semaphore(%arg10 : memref<!tpu.dma_semaphore, #tpu.memory_space<semaphore_mem>>)
    }
    %scan3A_14 = arith.constant 30 : i32
    %dma_wait3A = arith.constant 0 : i32
    %dma_wait3A_15 = arith.constant 0 : i32
    %dma_wait3A_16 = tpu.memref_slice %arg2[%dma_wait3A, %dma_wait3A_15] : memref<32x1000000xf32, #tpu.memory_space<hbm>> -> memref<32x512xf32, #tpu.memory_space<hbm>>
    %dma_wait3A_17 = arith.constant 0 : i32
    %dma_wait3A_18 = arith.constant 0 : i32
    %dma_wait3A_19 = tpu.memref_slice %arg2[%dma_wait3A_17, %dma_wait3A_18] : memref<32x1000000xf32, #tpu.memory_space<hbm>> -> memref<32x512xf32, #tpu.memory_space<hbm>>
    tpu.wait_dma2 semaphore(%arg9 : memref<!tpu.dma_semaphore, #tpu.memory_space<semaphore_mem>>) src(%dma_wait3A_19 : memref<32x512xf32, #tpu.memory_space<hbm>>) dst(%arg5 : memref<32x512xf32, #tpu.memory_space<vmem>>)
    %dma_wait3A_20 = arith.constant 0 : i32
    %dma_wait3A_21 = tpu.memref_slice %arg4[%dma_wait3A_20] : memref<32000000xf32, #tpu.memory_space<hbm>> -> memref<16384xf32, #tpu.memory_space<hbm>>
    %dma_wait3A_22 = arith.constant 0 : i32
    %dma_wait3A_23 = tpu.memref_slice %arg4[%dma_wait3A_22] : memref<32000000xf32, #tpu.memory_space<hbm>> -> memref<16384xf32, #tpu.memory_space<hbm>>
    tpu.wait_dma2 semaphore(%arg10 : memref<!tpu.dma_semaphore, #tpu.memory_space<semaphore_mem>>) src(%dma_wait3A_23 : memref<16384xf32, #tpu.memory_space<hbm>>) dst(%arg7 : memref<16384xf32, #tpu.memory_space<vmem>>)
    %parallel_loop3A = arith.constant 0 : i32
    %parallel_loop3A_24 = arith.constant 128 : i32
    %parallel_loop3A_25 = arith.constant 1 : i32
    scf.for %parallel_loop3A_45 = %parallel_loop3A to %parallel_loop3A_24 step %parallel_loop3A_25  : i32 {
      %parallel_loop3A_46 = arith.constant 128 : i32
      %parallel_loop3A_47 = arith.muli %parallel_loop3A_45, %parallel_loop3A_46 : i32
      %parallel_loop3A_48 = arith.constant 5 : i32
      %parallel_loop3A_49 = arith.shrui %parallel_loop3A_45, %parallel_loop3A_48 : i32
      %parallel_loop3A_50 = arith.constant 7 : i32
      %parallel_loop3A_51 = arith.shli %parallel_loop3A_49, %parallel_loop3A_50 : i32
      %parallel_loop3A_52 = arith.constant 31 : i32
      %parallel_loop3A_53 = arith.andi %parallel_loop3A_45, %parallel_loop3A_52 : i32
      %parallel_loop3A_54 = arith.constant 2 : i32
      %parallel_loop3A_55 = arith.shli %parallel_loop3A_53, %parallel_loop3A_54 : i32
      %parallel_loop3A_56 = arith.addi %parallel_loop3A_51, %parallel_loop3A_55 : i32
      %parallel_loop3A_57 = arith.constant 0 : i32
      %parallel_loop3A_58 = arith.addi %parallel_loop3A_56, %parallel_loop3A_57 : i32
      %parallel_loop3A_59 = vector.broadcast %parallel_loop3A_58 : i32 to vector<16xi32>
      %parallel_loop3A_60 = arith.constant 0 : i32
      %parallel_loop3A_61 = vector.broadcast %parallel_loop3A_60 : i32 to vector<16xi32>
      %parallel_loop3A_62 = arith.addi %parallel_loop3A_61, %iota3A : vector<16xi32>
      %parallel_loop3A_63 = tpu.vector_load_idx %arg5[%parallel_loop3A_62, %parallel_loop3A_59] : memref<32x512xf32, #tpu.memory_space<vmem>>[vector<16xi32>, vector<16xi32>], vector<16xf32>,
      %parallel_loop3A_64 = arith.constant 0 : i32
      %parallel_loop3A_65 = arith.addi %parallel_loop3A_47, %parallel_loop3A_64 : i32
      %parallel_loop3A_66 = arith.constant 0 : i32
      %parallel_loop3A_67 = arith.addi %parallel_loop3A_65, %parallel_loop3A_66 : i32
      %parallel_loop3A_68 = arith.index_cast %parallel_loop3A_67 : i32 to index
      %parallel_loop3A_69 = tpu.vector_load %arg7[%parallel_loop3A_68] {strides = array<i32>} : memref<16384xf32, #tpu.memory_space<vmem>>, vector<16xf32>,
      tpu.vector_store %arg7[%parallel_loop3A_68], %parallel_loop3A_63 {strides = array<i32>} : memref<16384xf32, #tpu.memory_space<vmem>>, vector<16xf32>,
      %parallel_loop3A_70 = arith.constant 16 : i32
      %parallel_loop3A_71 = vector.broadcast %parallel_loop3A_70 : i32 to vector<16xi32>
      %parallel_loop3A_72 = arith.addi %parallel_loop3A_71, %iota3A : vector<16xi32>
      %parallel_loop3A_73 = tpu.vector_load_idx %arg5[%parallel_loop3A_72, %parallel_loop3A_59] : memref<32x512xf32, #tpu.memory_space<vmem>>[vector<16xi32>, vector<16xi32>], vector<16xf32>,
      %parallel_loop3A_74 = arith.constant 0 : i32
      %parallel_loop3A_75 = arith.addi %parallel_loop3A_47, %parallel_loop3A_74 : i32
      %parallel_loop3A_76 = arith.constant 16 : i32
      %parallel_loop3A_77 = arith.addi %parallel_loop3A_75, %parallel_loop3A_76 : i32
      %parallel_loop3A_78 = arith.index_cast %parallel_loop3A_77 : i32 to index
      %parallel_loop3A_79 = tpu.vector_load %arg7[%parallel_loop3A_78] {strides = array<i32>} : memref<16384xf32, #tpu.memory_space<vmem>>, vector<16xf32>,
      tpu.vector_store %arg7[%parallel_loop3A_78], %parallel_loop3A_73 {strides = array<i32>} : memref<16384xf32, #tpu.memory_space<vmem>>, vector<16xf32>,
      %parallel_loop3A_80 = arith.constant 1 : i32
      %parallel_loop3A_81 = arith.addi %parallel_loop3A_56, %parallel_loop3A_80 : i32
      %parallel_loop3A_82 = vector.broadcast %parallel_loop3A_81 : i32 to vector<16xi32>
      %parallel_loop3A_83 = arith.constant 0 : i32
      %parallel_loop3A_84 = vector.broadcast %parallel_loop3A_83 : i32 to vector<16xi32>
      %parallel_loop3A_85 = arith.addi %parallel_loop3A_84, %iota3A : vector<16xi32>
      %parallel_loop3A_86 = tpu.vector_load_idx %arg5[%parallel_loop3A_85, %parallel_loop3A_82] : memref<32x512xf32, #tpu.memory_space<vmem>>[vector<16xi32>, vector<16xi32>], vector<16xf32>,
      %parallel_loop3A_87 = arith.constant 32 : i32
      %parallel_loop3A_88 = arith.addi %parallel_loop3A_47, %parallel_loop3A_87 : i32
      %parallel_loop3A_89 = arith.constant 0 : i32
      %parallel_loop3A_90 = arith.addi %parallel_loop3A_88, %parallel_loop3A_89 : i32
      %parallel_loop3A_91 = arith.index_cast %parallel_loop3A_90 : i32 to index
      %parallel_loop3A_92 = tpu.vector_load %arg7[%parallel_loop3A_91] {strides = array<i32>} : memref<16384xf32, #tpu.memory_space<vmem>>, vector<16xf32>,
      tpu.vector_store %arg7[%parallel_loop3A_91], %parallel_loop3A_86 {strides = array<i32>} : memref<16384xf32, #tpu.memory_space<vmem>>, vector<16xf32>,
      %parallel_loop3A_93 = arith.constant 16 : i32
      %parallel_loop3A_94 = vector.broadcast %parallel_loop3A_93 : i32 to vector<16xi32>
      %parallel_loop3A_95 = arith.addi %parallel_loop3A_94, %iota3A : vector<16xi32>
      %parallel_loop3A_96 = tpu.vector_load_idx %arg5[%parallel_loop3A_95, %parallel_loop3A_82] : memref<32x512xf32, #tpu.memory_space<vmem>>[vector<16xi32>, vector<16xi32>], vector<16xf32>,
      %parallel_loop3A_97 = arith.constant 32 : i32
      %parallel_loop3A_98 = arith.addi %parallel_loop3A_47, %parallel_loop3A_97 : i32
      %parallel_loop3A_99 = arith.constant 16 : i32
      %parallel_loop3A_100 = arith.addi %parallel_loop3A_98, %parallel_loop3A_99 : i32
      %parallel_loop3A_101 = arith.index_cast %parallel_loop3A_100 : i32 to index
      %parallel_loop3A_102 = tpu.vector_load %arg7[%parallel_loop3A_101] {strides = array<i32>} : memref<16384xf32, #tpu.memory_space<vmem>>, vector<16xf32>,
      tpu.vector_store %arg7[%parallel_loop3A_101], %parallel_loop3A_96 {strides = array<i32>} : memref<16384xf32, #tpu.memory_space<vmem>>, vector<16xf32>,
      %parallel_loop3A_103 = arith.constant 2 : i32
      %parallel_loop3A_104 = arith.addi %parallel_loop3A_56, %parallel_loop3A_103 : i32
      %parallel_loop3A_105 = vector.broadcast %parallel_loop3A_104 : i32 to vector<16xi32>
      %parallel_loop3A_106 = arith.constant 0 : i32
      %parallel_loop3A_107 = vector.broadcast %parallel_loop3A_106 : i32 to vector<16xi32>
      %parallel_loop3A_108 = arith.addi %parallel_loop3A_107, %iota3A : vector<16xi32>
      %parallel_loop3A_109 = tpu.vector_load_idx %arg5[%parallel_loop3A_108, %parallel_loop3A_105] : memref<32x512xf32, #tpu.memory_space<vmem>>[vector<16xi32>, vector<16xi32>], vector<16xf32>,
      %parallel_loop3A_110 = arith.constant 64 : i32
      %parallel_loop3A_111 = arith.addi %parallel_loop3A_47, %parallel_loop3A_110 : i32
      %parallel_loop3A_112 = arith.constant 0 : i32
      %parallel_loop3A_113 = arith.addi %parallel_loop3A_111, %parallel_loop3A_112 : i32
      %parallel_loop3A_114 = arith.index_cast %parallel_loop3A_113 : i32 to index
      %parallel_loop3A_115 = tpu.vector_load %arg7[%parallel_loop3A_114] {strides = array<i32>} : memref<16384xf32, #tpu.memory_space<vmem>>, vector<16xf32>,
      tpu.vector_store %arg7[%parallel_loop3A_114], %parallel_loop3A_109 {strides = array<i32>} : memref<16384xf32, #tpu.memory_space<vmem>>, vector<16xf32>,
      %parallel_loop3A_116 = arith.constant 16 : i32
      %parallel_loop3A_117 = vector.broadcast %parallel_loop3A_116 : i32 to vector<16xi32>
      %parallel_loop3A_118 = arith.addi %parallel_loop3A_117, %iota3A : vector<16xi32>
      %parallel_loop3A_119 = tpu.vector_load_idx %arg5[%parallel_loop3A_118, %parallel_loop3A_105] : memref<32x512xf32, #tpu.memory_space<vmem>>[vector<16xi32>, vector<16xi32>], vector<16xf32>,
      %parallel_loop3A_120 = arith.constant 64 : i32
      %parallel_loop3A_121 = arith.addi %parallel_loop3A_47, %parallel_loop3A_120 : i32
      %parallel_loop3A_122 = arith.constant 16 : i32
      %parallel_loop3A_123 = arith.addi %parallel_loop3A_121, %parallel_loop3A_122 : i32
      %parallel_loop3A_124 = arith.index_cast %parallel_loop3A_123 : i32 to index
      %parallel_loop3A_125 = tpu.vector_load %arg7[%parallel_loop3A_124] {strides = array<i32>} : memref<16384xf32, #tpu.memory_space<vmem>>, vector<16xf32>,
      tpu.vector_store %arg7[%parallel_loop3A_124], %parallel_loop3A_119 {strides = array<i32>} : memref<16384xf32, #tpu.memory_space<vmem>>, vector<16xf32>,
      %parallel_loop3A_126 = arith.constant 3 : i32
      %parallel_loop3A_127 = arith.addi %parallel_loop3A_56, %parallel_loop3A_126 : i32
      %parallel_loop3A_128 = vector.broadcast %parallel_loop3A_127 : i32 to vector<16xi32>
      %parallel_loop3A_129 = arith.constant 0 : i32
      %parallel_loop3A_130 = vector.broadcast %parallel_loop3A_129 : i32 to vector<16xi32>
      %parallel_loop3A_131 = arith.addi %parallel_loop3A_130, %iota3A : vector<16xi32>
      %parallel_loop3A_132 = tpu.vector_load_idx %arg5[%parallel_loop3A_131, %parallel_loop3A_128] : memref<32x512xf32, #tpu.memory_space<vmem>>[vector<16xi32>, vector<16xi32>], vector<16xf32>,
      %parallel_loop3A_133 = arith.constant 96 : i32
      %parallel_loop3A_134 = arith.addi %parallel_loop3A_47, %parallel_loop3A_133 : i32
      %parallel_loop3A_135 = arith.constant 0 : i32
      %parallel_loop3A_136 = arith.addi %parallel_loop3A_134, %parallel_loop3A_135 : i32
      %parallel_loop3A_137 = arith.index_cast %parallel_loop3A_136 : i32 to index
      %parallel_loop3A_138 = tpu.vector_load %arg7[%parallel_loop3A_137] {strides = array<i32>} : memref<16384xf32, #tpu.memory_space<vmem>>, vector<16xf32>,
      tpu.vector_store %arg7[%parallel_loop3A_137], %parallel_loop3A_132 {strides = array<i32>} : memref<16384xf32, #tpu.memory_space<vmem>>, vector<16xf32>,
      %parallel_loop3A_139 = arith.constant 16 : i32
      %parallel_loop3A_140 = vector.broadcast %parallel_loop3A_139 : i32 to vector<16xi32>
      %parallel_loop3A_141 = arith.addi %parallel_loop3A_140, %iota3A : vector<16xi32>
      %parallel_loop3A_142 = tpu.vector_load_idx %arg5[%parallel_loop3A_141, %parallel_loop3A_128] : memref<32x512xf32, #tpu.memory_space<vmem>>[vector<16xi32>, vector<16xi32>], vector<16xf32>,
      %parallel_loop3A_143 = arith.constant 96 : i32
      %parallel_loop3A_144 = arith.addi %parallel_loop3A_47, %parallel_loop3A_143 : i32
      %parallel_loop3A_145 = arith.constant 16 : i32
      %parallel_loop3A_146 = arith.addi %parallel_loop3A_144, %parallel_loop3A_145 : i32
      %parallel_loop3A_147 = arith.index_cast %parallel_loop3A_146 : i32 to index
      %parallel_loop3A_148 = tpu.vector_load %arg7[%parallel_loop3A_147] {strides = array<i32>} : memref<16384xf32, #tpu.memory_space<vmem>>, vector<16xf32>,
      tpu.vector_store %arg7[%parallel_loop3A_147], %parallel_loop3A_142 {strides = array<i32>} : memref<16384xf32, #tpu.memory_space<vmem>>, vector<16xf32>,
    } {sc.loop_unroll_factor = 4 : i64, sc.parallel_access}
    %add3A_26 = arith.constant 1920 : i32
    %add3A_27 = arith.addi %add3A, %add3A_26 : i32
    %mul3A_28 = arith.constant 16384 : i32
    %mul3A_29 = arith.muli %add3A_27, %mul3A_28 : i32
    %dma_start3A_30 = tpu.memref_slice %arg4[%mul3A_29] : memref<32000000xf32, #tpu.memory_space<hbm>> -> memref<16384xf32, #tpu.memory_space<hbm>>
    %dma_start3A_31 = tpu.memref_slice %arg4[%mul3A_29] : memref<32000000xf32, #tpu.memory_space<hbm>> -> memref<16384xf32, #tpu.memory_space<hbm>>
    tpu.enqueue_dma source(%arg7 : memref<16384xf32, #tpu.memory_space<vmem>>) target(%dma_start3A_31 : memref<16384xf32, #tpu.memory_space<hbm>>) target_semaphore(%arg10 : memref<!tpu.dma_semaphore, #tpu.memory_space<semaphore_mem>>)
    %eq3A_32 = arith.constant 31 : i32
    %eq3A_33 = arith.cmpi eq, %add3A, %eq3A_32 : i32
    %convert_element_type3A_34 = arith.extui %eq3A_33 : i1 to i32
    %cond3A_35 = arith.constant 0 : i32
    %cond3A_36 = arith.cmpi ne, %convert_element_type3A_34, %cond3A_35 : i32
    scf.if %cond3A_36 {
      %dma_wait3A_45 = arith.constant 0 : i32
      %dma_wait3A_46 = tpu.memref_slice %arg4[%dma_wait3A_45] : memref<32000000xf32, #tpu.memory_space<hbm>> -> memref<16384xf32, #tpu.memory_space<hbm>>
      %dma_wait3A_47 = arith.constant 0 : i32
      %dma_wait3A_48 = tpu.memref_slice %arg4[%dma_wait3A_47] : memref<32000000xf32, #tpu.memory_space<hbm>> -> memref<16384xf32, #tpu.memory_space<hbm>>
      tpu.wait_dma2 semaphore(%arg10 : memref<!tpu.dma_semaphore, #tpu.memory_space<semaphore_mem>>) src(%dma_wait3A_48 : memref<16384xf32, #tpu.memory_space<hbm>>) dst(%arg8 : memref<16384xf32, #tpu.memory_space<vmem>>)
      %dma_start3A_49 = arith.constant 0 : i32
      %dma_start3A_50 = arith.constant 999424 : i32
      %dma_start3A_51 = tpu.memref_slice %arg2[%dma_start3A_49, %dma_start3A_50] : memref<32x1000000xf32, #tpu.memory_space<hbm>> -> memref<32x512xf32, #tpu.memory_space<hbm>>
      %dma_start3A_52 = arith.constant 0 : i32
      %dma_start3A_53 = arith.constant 999424 : i32
      %dma_start3A_54 = tpu.memref_slice %arg2[%dma_start3A_52, %dma_start3A_53] : memref<32x1000000xf32, #tpu.memory_space<hbm>> -> memref<32x512xf32, #tpu.memory_space<hbm>>
      tpu.enqueue_dma source(%dma_start3A_54 : memref<32x512xf32, #tpu.memory_space<hbm>>) target(%arg6 : memref<32x512xf32, #tpu.memory_space<vmem>>) target_semaphore(%arg9 : memref<!tpu.dma_semaphore, #tpu.memory_space<semaphore_mem>>)
      %dma_wait3A_55 = arith.constant 0 : i32
      %dma_wait3A_56 = arith.constant 0 : i32
      %dma_wait3A_57 = tpu.memref_slice %arg2[%dma_wait3A_55, %dma_wait3A_56] : memref<32x1000000xf32, #tpu.memory_space<hbm>> -> memref<32x512xf32, #tpu.memory_space<hbm>>
      %dma_wait3A_58 = arith.constant 0 : i32
      %dma_wait3A_59 = arith.constant 0 : i32
      %dma_wait3A_60 = tpu.memref_slice %arg2[%dma_wait3A_58, %dma_wait3A_59] : memref<32x1000000xf32, #tpu.memory_space<hbm>> -> memref<32x512xf32, #tpu.memory_space<hbm>>
      tpu.wait_dma2 semaphore(%arg9 : memref<!tpu.dma_semaphore, #tpu.memory_space<semaphore_mem>>) src(%dma_wait3A_60 : memref<32x512xf32, #tpu.memory_space<hbm>>) dst(%arg6 : memref<32x512xf32, #tpu.memory_space<vmem>>)
      %parallel_loop3A_61 = arith.constant 0 : i32
      %parallel_loop3A_62 = arith.constant 128 : i32
      %parallel_loop3A_63 = arith.constant 1 : i32
      scf.for %parallel_loop3A_64 = %parallel_loop3A_61 to %parallel_loop3A_62 step %parallel_loop3A_63  : i32 {
        %parallel_loop3A_65 = arith.constant 128 : i32
        %parallel_loop3A_66 = arith.muli %parallel_loop3A_64, %parallel_loop3A_65 : i32
        %parallel_loop3A_67 = arith.constant 5 : i32
        %parallel_loop3A_68 = arith.shrui %parallel_loop3A_64, %parallel_loop3A_67 : i32
        %parallel_loop3A_69 = arith.constant 7 : i32
        %parallel_loop3A_70 = arith.shli %parallel_loop3A_68, %parallel_loop3A_69 : i32
        %parallel_loop3A_71 = arith.constant 31 : i32
        %parallel_loop3A_72 = arith.andi %parallel_loop3A_64, %parallel_loop3A_71 : i32
        %parallel_loop3A_73 = arith.constant 2 : i32
        %parallel_loop3A_74 = arith.shli %parallel_loop3A_72, %parallel_loop3A_73 : i32
        %parallel_loop3A_75 = arith.addi %parallel_loop3A_70, %parallel_loop3A_74 : i32
        %parallel_loop3A_76 = arith.constant 0 : i32
        %parallel_loop3A_77 = arith.addi %parallel_loop3A_75, %parallel_loop3A_76 : i32
        %parallel_loop3A_78 = vector.broadcast %parallel_loop3A_77 : i32 to vector<16xi32>
        %parallel_loop3A_79 = arith.constant 0 : i32
        %parallel_loop3A_80 = vector.broadcast %parallel_loop3A_79 : i32 to vector<16xi32>
        %parallel_loop3A_81 = arith.addi %parallel_loop3A_80, %iota3A : vector<16xi32>
        %parallel_loop3A_82 = tpu.vector_load_idx %arg6[%parallel_loop3A_81, %parallel_loop3A_78] : memref<32x512xf32, #tpu.memory_space<vmem>>[vector<16xi32>, vector<16xi32>], vector<16xf32>,
        %parallel_loop3A_83 = arith.constant 0 : i32
        %parallel_loop3A_84 = arith.addi %parallel_loop3A_66, %parallel_loop3A_83 : i32
        %parallel_loop3A_85 = arith.constant 0 : i32
        %parallel_loop3A_86 = arith.addi %parallel_loop3A_84, %parallel_loop3A_85 : i32
        %parallel_loop3A_87 = arith.index_cast %parallel_loop3A_86 : i32 to index
        %parallel_loop3A_88 = tpu.vector_load %arg8[%parallel_loop3A_87] {strides = array<i32>} : memref<16384xf32, #tpu.memory_space<vmem>>, vector<16xf32>,
        tpu.vector_store %arg8[%parallel_loop3A_87], %parallel_loop3A_82 {strides = array<i32>} : memref<16384xf32, #tpu.memory_space<vmem>>, vector<16xf32>,
        %parallel_loop3A_89 = arith.constant 16 : i32
        %parallel_loop3A_90 = vector.broadcast %parallel_loop3A_89 : i32 to vector<16xi32>
        %parallel_loop3A_91 = arith.addi %parallel_loop3A_90, %iota3A : vector<16xi32>
        %parallel_loop3A_92 = tpu.vector_load_idx %arg6[%parallel_loop3A_91, %parallel_loop3A_78] : memref<32x512xf32, #tpu.memory_space<vmem>>[vector<16xi32>, vector<16xi32>], vector<16xf32>,
        %parallel_loop3A_93 = arith.constant 0 : i32
        %parallel_loop3A_94 = arith.addi %parallel_loop3A_66, %parallel_loop3A_93 : i32
        %parallel_loop3A_95 = arith.constant 16 : i32
        %parallel_loop3A_96 = arith.addi %parallel_loop3A_94, %parallel_loop3A_95 : i32
        %parallel_loop3A_97 = arith.index_cast %parallel_loop3A_96 : i32 to index
        %parallel_loop3A_98 = tpu.vector_load %arg8[%parallel_loop3A_97] {strides = array<i32>} : memref<16384xf32, #tpu.memory_space<vmem>>, vector<16xf32>,
        tpu.vector_store %arg8[%parallel_loop3A_97], %parallel_loop3A_92 {strides = array<i32>} : memref<16384xf32, #tpu.memory_space<vmem>>, vector<16xf32>,
        %parallel_loop3A_99 = arith.constant 1 : i32
        %parallel_loop3A_100 = arith.addi %parallel_loop3A_75, %parallel_loop3A_99 : i32
        %parallel_loop3A_101 = vector.broadcast %parallel_loop3A_100 : i32 to vector<16xi32>
        %parallel_loop3A_102 = arith.constant 0 : i32
        %parallel_loop3A_103 = vector.broadcast %parallel_loop3A_102 : i32 to vector<16xi32>
        %parallel_loop3A_104 = arith.addi %parallel_loop3A_103, %iota3A : vector<16xi32>
        %parallel_loop3A_105 = tpu.vector_load_idx %arg6[%parallel_loop3A_104, %parallel_loop3A_101] : memref<32x512xf32, #tpu.memory_space<vmem>>[vector<16xi32>, vector<16xi32>], vector<16xf32>,
        %parallel_loop3A_106 = arith.constant 32 : i32
        %parallel_loop3A_107 = arith.addi %parallel_loop3A_66, %parallel_loop3A_106 : i32
        %parallel_loop3A_108 = arith.constant 0 : i32
        %parallel_loop3A_109 = arith.addi %parallel_loop3A_107, %parallel_loop3A_108 : i32
        %parallel_loop3A_110 = arith.index_cast %parallel_loop3A_109 : i32 to index
        %parallel_loop3A_111 = tpu.vector_load %arg8[%parallel_loop3A_110] {strides = array<i32>} : memref<16384xf32, #tpu.memory_space<vmem>>, vector<16xf32>,
        tpu.vector_store %arg8[%parallel_loop3A_110], %parallel_loop3A_105 {strides = array<i32>} : memref<16384xf32, #tpu.memory_space<vmem>>, vector<16xf32>,
        %parallel_loop3A_112 = arith.constant 16 : i32
        %parallel_loop3A_113 = vector.broadcast %parallel_loop3A_112 : i32 to vector<16xi32>
        %parallel_loop3A_114 = arith.addi %parallel_loop3A_113, %iota3A : vector<16xi32>
        %parallel_loop3A_115 = tpu.vector_load_idx %arg6[%parallel_loop3A_114, %parallel_loop3A_101] : memref<32x512xf32, #tpu.memory_space<vmem>>[vector<16xi32>, vector<16xi32>], vector<16xf32>,
        %parallel_loop3A_116 = arith.constant 32 : i32
        %parallel_loop3A_117 = arith.addi %parallel_loop3A_66, %parallel_loop3A_116 : i32
        %parallel_loop3A_118 = arith.constant 16 : i32
        %parallel_loop3A_119 = arith.addi %parallel_loop3A_117, %parallel_loop3A_118 : i32
        %parallel_loop3A_120 = arith.index_cast %parallel_loop3A_119 : i32 to index
        %parallel_loop3A_121 = tpu.vector_load %arg8[%parallel_loop3A_120] {strides = array<i32>} : memref<16384xf32, #tpu.memory_space<vmem>>, vector<16xf32>,
        tpu.vector_store %arg8[%parallel_loop3A_120], %parallel_loop3A_115 {strides = array<i32>} : memref<16384xf32, #tpu.memory_space<vmem>>, vector<16xf32>,
        %parallel_loop3A_122 = arith.constant 2 : i32
        %parallel_loop3A_123 = arith.addi %parallel_loop3A_75, %parallel_loop3A_122 : i32
        %parallel_loop3A_124 = vector.broadcast %parallel_loop3A_123 : i32 to vector<16xi32>
        %parallel_loop3A_125 = arith.constant 0 : i32
        %parallel_loop3A_126 = vector.broadcast %parallel_loop3A_125 : i32 to vector<16xi32>
        %parallel_loop3A_127 = arith.addi %parallel_loop3A_126, %iota3A : vector<16xi32>
        %parallel_loop3A_128 = tpu.vector_load_idx %arg6[%parallel_loop3A_127, %parallel_loop3A_124] : memref<32x512xf32, #tpu.memory_space<vmem>>[vector<16xi32>, vector<16xi32>], vector<16xf32>,
        %parallel_loop3A_129 = arith.constant 64 : i32
        %parallel_loop3A_130 = arith.addi %parallel_loop3A_66, %parallel_loop3A_129 : i32
        %parallel_loop3A_131 = arith.constant 0 : i32
        %parallel_loop3A_132 = arith.addi %parallel_loop3A_130, %parallel_loop3A_131 : i32
        %parallel_loop3A_133 = arith.index_cast %parallel_loop3A_132 : i32 to index
        %parallel_loop3A_134 = tpu.vector_load %arg8[%parallel_loop3A_133] {strides = array<i32>} : memref<16384xf32, #tpu.memory_space<vmem>>, vector<16xf32>,
        tpu.vector_store %arg8[%parallel_loop3A_133], %parallel_loop3A_128 {strides = array<i32>} : memref<16384xf32, #tpu.memory_space<vmem>>, vector<16xf32>,
        %parallel_loop3A_135 = arith.constant 16 : i32
        %parallel_loop3A_136 = vector.broadcast %parallel_loop3A_135 : i32 to vector<16xi32>
        %parallel_loop3A_137 = arith.addi %parallel_loop3A_136, %iota3A : vector<16xi32>
        %parallel_loop3A_138 = tpu.vector_load_idx %arg6[%parallel_loop3A_137, %parallel_loop3A_124] : memref<32x512xf32, #tpu.memory_space<vmem>>[vector<16xi32>, vector<16xi32>], vector<16xf32>,
        %parallel_loop3A_139 = arith.constant 64 : i32
        %parallel_loop3A_140 = arith.addi %parallel_loop3A_66, %parallel_loop3A_139 : i32
        %parallel_loop3A_141 = arith.constant 16 : i32
        %parallel_loop3A_142 = arith.addi %parallel_loop3A_140, %parallel_loop3A_141 : i32
        %parallel_loop3A_143 = arith.index_cast %parallel_loop3A_142 : i32 to index
        %parallel_loop3A_144 = tpu.vector_load %arg8[%parallel_loop3A_143] {strides = array<i32>} : memref<16384xf32, #tpu.memory_space<vmem>>, vector<16xf32>,
        tpu.vector_store %arg8[%parallel_loop3A_143], %parallel_loop3A_138 {strides = array<i32>} : memref<16384xf32, #tpu.memory_space<vmem>>, vector<16xf32>,
        %parallel_loop3A_145 = arith.constant 3 : i32
        %parallel_loop3A_146 = arith.addi %parallel_loop3A_75, %parallel_loop3A_145 : i32
        %parallel_loop3A_147 = vector.broadcast %parallel_loop3A_146 : i32 to vector<16xi32>
        %parallel_loop3A_148 = arith.constant 0 : i32
        %parallel_loop3A_149 = vector.broadcast %parallel_loop3A_148 : i32 to vector<16xi32>
        %parallel_loop3A_150 = arith.addi %parallel_loop3A_149, %iota3A : vector<16xi32>
        %parallel_loop3A_151 = tpu.vector_load_idx %arg6[%parallel_loop3A_150, %parallel_loop3A_147] : memref<32x512xf32, #tpu.memory_space<vmem>>[vector<16xi32>, vector<16xi32>], vector<16xf32>,
        %parallel_loop3A_152 = arith.constant 96 : i32
        %parallel_loop3A_153 = arith.addi %parallel_loop3A_66, %parallel_loop3A_152 : i32
        %parallel_loop3A_154 = arith.constant 0 : i32
        %parallel_loop3A_155 = arith.addi %parallel_loop3A_153, %parallel_loop3A_154 : i32
        %parallel_loop3A_156 = arith.index_cast %parallel_loop3A_155 : i32 to index
        %parallel_loop3A_157 = tpu.vector_load %arg8[%parallel_loop3A_156] {strides = array<i32>} : memref<16384xf32, #tpu.memory_space<vmem>>, vector<16xf32>,
        tpu.vector_store %arg8[%parallel_loop3A_156], %parallel_loop3A_151 {strides = array<i32>} : memref<16384xf32, #tpu.memory_space<vmem>>, vector<16xf32>,
        %parallel_loop3A_158 = arith.constant 16 : i32
        %parallel_loop3A_159 = vector.broadcast %parallel_loop3A_158 : i32 to vector<16xi32>
        %parallel_loop3A_160 = arith.addi %parallel_loop3A_159, %iota3A : vector<16xi32>
        %parallel_loop3A_161 = tpu.vector_load_idx %arg6[%parallel_loop3A_160, %parallel_loop3A_147] : memref<32x512xf32, #tpu.memory_space<vmem>>[vector<16xi32>, vector<16xi32>], vector<16xf32>,
        %parallel_loop3A_162 = arith.constant 96 : i32
        %parallel_loop3A_163 = arith.addi %parallel_loop3A_66, %parallel_loop3A_162 : i32
        %parallel_loop3A_164 = arith.constant 16 : i32
        %parallel_loop3A_165 = arith.addi %parallel_loop3A_163, %parallel_loop3A_164 : i32
        %parallel_loop3A_166 = arith.index_cast %parallel_loop3A_165 : i32 to index
        %parallel_loop3A_167 = tpu.vector_load %arg8[%parallel_loop3A_166] {strides = array<i32>} : memref<16384xf32, #tpu.memory_space<vmem>>, vector<16xf32>,
        tpu.vector_store %arg8[%parallel_loop3A_166], %parallel_loop3A_161 {strides = array<i32>} : memref<16384xf32, #tpu.memory_space<vmem>>, vector<16xf32>,
      } {sc.loop_unroll_factor = 4 : i64, sc.parallel_access}
      "tpu.region"() ({
        %run_scoped3A = tpu.sem_alloc : memref<!tpu.dma_semaphore, #tpu.memory_space<semaphore_mem>>
        %dma_start3A_64 = arith.constant 31981568 : i32
        %dma_start3A_65 = tpu.memref_slice %arg4[%dma_start3A_64] : memref<32000000xf32, #tpu.memory_space<hbm>> -> memref<16384xf32, #tpu.memory_space<hbm>>
        %dma_start3A_66 = arith.constant 31981568 : i32
        %dma_start3A_67 = tpu.memref_slice %arg4[%dma_start3A_66] : memref<32000000xf32, #tpu.memory_space<hbm>> -> memref<16384xf32, #tpu.memory_space<hbm>>
        tpu.enqueue_dma source(%arg8 : memref<16384xf32, #tpu.memory_space<vmem>>) target(%dma_start3A_67 : memref<16384xf32, #tpu.memory_space<hbm>>) target_semaphore(%run_scoped3A : memref<!tpu.dma_semaphore, #tpu.memory_space<semaphore_mem>>)
        %dma_wait3A_68 = arith.constant 31981568 : i32
        %dma_wait3A_69 = tpu.memref_slice %arg4[%dma_wait3A_68] : memref<32000000xf32, #tpu.memory_space<hbm>> -> memref<16384xf32, #tpu.memory_space<hbm>>
        %dma_wait3A_70 = arith.constant 31981568 : i32
        %dma_wait3A_71 = tpu.memref_slice %arg4[%dma_wait3A_70] : memref<32000000xf32, #tpu.memory_space<hbm>> -> memref<16384xf32, #tpu.memory_space<hbm>>
        tpu.wait_dma2 semaphore(%run_scoped3A : memref<!tpu.dma_semaphore, #tpu.memory_space<semaphore_mem>>) src(%arg8 : memref<16384xf32, #tpu.memory_space<vmem>>) dst(%dma_wait3A_71 : memref<16384xf32, #tpu.memory_space<hbm>>)
        tpu.yield
      }) : () -> ()
    } else {
    }
    %dma_wait3A_37 = arith.constant 0 : i32
    %dma_wait3A_38 = tpu.memref_slice %arg4[%dma_wait3A_37] : memref<32000000xf32, #tpu.memory_space<hbm>> -> memref<16384xf32, #tpu.memory_space<hbm>>
    %dma_wait3A_39 = arith.constant 0 : i32
    %dma_wait3A_40 = tpu.memref_slice %arg4[%dma_wait3A_39] : memref<32000000xf32, #tpu.memory_space<hbm>> -> memref<16384xf32, #tpu.memory_space<hbm>>
    tpu.wait_dma2 semaphore(%arg10 : memref<!tpu.dma_semaphore, #tpu.memory_space<semaphore_mem>>) src(%dma_wait3A_40 : memref<16384xf32, #tpu.memory_space<hbm>>) dst(%arg7 : memref<16384xf32, #tpu.memory_space<vmem>>)
    %ne3A = arith.constant 31 : i32
    %ne3A_41 = arith.cmpi ne, %add3A, %ne3A : i32
    %convert_element_type3A_42 = arith.extui %ne3A_41 : i1 to i32
    %cond3A_43 = arith.constant 0 : i32
    %cond3A_44 = arith.cmpi ne, %convert_element_type3A_42, %cond3A_43 : i32
    scf.if %cond3A_44 {
      %dma_wait3A_45 = arith.constant 0 : i32
      %dma_wait3A_46 = tpu.memref_slice %arg4[%dma_wait3A_45] : memref<32000000xf32, #tpu.memory_space<hbm>> -> memref<16384xf32, #tpu.memory_space<hbm>>
      %dma_wait3A_47 = arith.constant 0 : i32
      %dma_wait3A_48 = tpu.memref_slice %arg4[%dma_wait3A_47] : memref<32000000xf32, #tpu.memory_space<hbm>> -> memref<16384xf32, #tpu.memory_space<hbm>>
      tpu.wait_dma2 semaphore(%arg10 : memref<!tpu.dma_semaphore, #tpu.memory_space<semaphore_mem>>) src(%dma_wait3A_48 : memref<16384xf32, #tpu.memory_space<hbm>>) dst(%arg8 : memref<16384xf32, #tpu.memory_space<vmem>>)
    } else {
    }
    return
  }
}

</mosaic_0001>

<sc_bundles>
// kernel: _transpose_run.3.cloned.1.call-start
scs
__scs_entry_jumppad:
0x0: {  	(pc) =	sbr.rel $0x88, $3  }
0x1: {  	(tag) =	ssettag $0x0;
	lr =	simm.s32 $0x1  }
0x2: {  	[smem:$0x3F9F] =	sst lr;
	_ =	strace $0xD0000000  }
0x3: {  	_ = 	snop  }
0x4: {  	_ = 	snop  }
0x5: {  	_ = 	snop  }
0x6: {  	_ = 	snop  }
0x7: {  	_ = 	snop  }
__scs_overlays_trampoline_lowered:
0x8: {  	[smem:$0x3FAE] =	sst s0  }
0x9: {  	[smem:$0x3FAF] =	sst s1  }
0xa: {  	[smem:$0x3FB0] =	sst s2  }
0xb: {  	[smem:$0x3FB1] =	sst s3  }
0xc: {  	[smem:$0x3FB2] =	sst s4  }
0xd: {  	[smem:$0x3FB3] =	sst s5  }
0xe: {  	[smem:$0x3FB4] =	sst s6  }
0xf: {  	[smem:$0x3FB5] =	sst s7  }
0x10: {  	[smem:$0x3FB6] =	sst s8  }
0x11: {  	[smem:$0x3FB7] =	sst s9;
	s0 =	simm.s32 @!p0 $0x0  }
0x12: {  	s1 =	sld [smem:$0x3F9D];
	s0 =	simm.s32 @p0 $0x1  }
0x13: {  	[smem:$0x3FB8] =	sst s0;
	s0 =	simm.s32 @!p1 $0x0  }
0x14: {  	s2 =	sld [smem:$0x3F9C];
	s0 =	simm.s32 @p1 $0x1  }
0x15: {  	[smem:$0x3FB9] =	sst s0;
	s0 =	simm.s32 @!p2 $0x0  }
0x16: {  	s3 =	sld [smem:$0x3FDB];
	s0 =	simm.s32 @p2 $0x1  }
0x17: {  	s4 =	simm.s32 $0x1BF5;
	[smem:$0x3FBB] =	sst s0  }
0x18: {  	s0 =	sld [smem:$0x3F9E];
	_ =	swait.ge [sflag:s4], $0x0  }
0x19: {  	s7 =	sld [smem:$0x3F9F]  }
0x1a: {  	s8 =	sadd.s32 $0xFFFFE003, lr  }
0x1b: {  	s9 =	sadd.s32 $0xFFFFFEF7, lr;
	s5 =	simm.s32 $0xFFFFFFFF;
	p2 =	slt.u32 s8, $0xFFFFF086  }
0x1c: {  	p1 =	slt.u32 s9, $0xF7A;
	s5 =	simm.s32 @!p2 $0x0  }
0x1d: {  	s5 =	simm.s32 @p1 $0x1;
	p0 =	seq.s32 s7, s2  }
0x1e: {  	s7 =	smul.u32 @!p0 $0xF7A, s2;
	p2 =	seq.s32 @!p0 s5, $0x0  }
0x1f: {  	s9 =	smul.u32 $0xF7A, s1;
	s8 =	simm.s32 @!p0 $0x1BF5;
	p2 =	por !p2, p0  }
0x20: {  	[sflag:s8] =	ssyncset.s32 @!p0 $0xFFFFF086;
	s6 =	sadd.s32 @!p0 s3, s7;
	s7 =	simm.s32 @!p0 $0x108  }
0x21: {  	s3 =	sadd.s32 s3, s9;
	s6 =	sadd.s32 @!p0 $0x88, s6;
	s7 =	simm.s32 @p2 $0x1082  }
0x22: {  	[simem:s7], [sflag:s8] =	dma.local @!p0 [hbm:s6], $0xF7A  }
0x23: {  	s9 =	sor.u32 $0xD0000000, s2;
	s6 =	simm.s32 $0x108;
	_ =	swait.ge @!p0 [sflag:s8], $0x0  }
0x24: {  	s3 =	sadd.s32 $0x88, s3;
	s6 =	simm.s32 @!p1 $0x1082;
	[sflag:s4] =	ssyncset.s32 $0xFFFFF086  }
0x25: {  	[simem:s6], [sflag:s4] =	dma.local [hbm:s3], $0xF7A  }
0x26: {  	[smem:$0x3F9F] =	sst s1;
	(tag) =	ssettag s2;
	_ =	strace s9  }
0x27: {  	s1 =	sld [smem:$0x3FAF]  }
0x28: {  	s2 =	sld [smem:$0x3FB0]  }
0x29: {  	s4 =	sld [smem:$0x3FB2]  }
0x2a: {  	p0 =	seq.s32 s5, $0x0;
	s5 =	sld [smem:$0x3FB3]  }
0x2b: {  	s6 =	sld [smem:$0x3FB4]  }
0x2c: {  	s7 =	sld [smem:$0x3FB5]  }
0x2d: {  	s3 =	simm.s32 $0x108;
	s8 =	sld [smem:$0x3FB6]  }
0x2e: {  	s3 =	simm.s32 @!p0 $0x1082;
	s9 =	sld [smem:$0x3FB7]  }
0x2f: {  	lr =	sadd.s32 s0, s3;
	s0 =	sld [smem:$0x3FAE]  }
0x30: {  	s3 =	sld [smem:$0x3FB1]  }
0x31: {  	[smem:$0x3FBA] =	sst s10  }
0x32: {  	s10 =	sld [smem:$0x3FB8];
	_ =	sdelay $0x3  }
0x33: {  	p0 =	seq.s32 s10, $0x1;
	s10 =	sld [smem:$0x3FBA];
	_ =	sdelay $0x3  }
0x34: {  	[smem:$0x3FBA] =	sst s10  }
0x35: {  	s10 =	sld [smem:$0x3FB9];
	_ =	sdelay $0x3  }
0x36: {  	p1 =	seq.s32 s10, $0x1;
	s10 =	sld [smem:$0x3FBA];
	_ =	sdelay $0x3  }
0x37: {  	[smem:$0x3FBA] =	sst s10  }
0x38: {  	s10 =	sld [smem:$0x3FBB]  }
0x39: {  	_ = 	snop;
	(pc) =	sbr.ind lr, $3  }
0x3a: {  	_ = 	snop  }
0x3b: {  	_ = 	snop  }
0x3c: {  	p2 =	seq.s32 s10, $0x1;
	s10 =	sld [smem:$0x3FBA]  }
0x3d: {  	_ =	shalt  }
0x3e: {  	_ =	shalt  }
0x3f: {  	_ =	shalt  }
0x40: {  	_ =	shalt  }
0x41: {  	_ =	shalt  }
0x42: {  	_ =	shalt  }
0x43: {  	_ =	shalt  }
0x44: {  	_ =	shalt  }
0x45: {  	_ =	shalt  }
0x46: {  	_ =	shalt  }
0x47: {  	_ =	shalt  }
0x48: {  	_ =	shalt  }
0x49: {  	_ =	shalt  }
0x4a: {  	_ =	shalt  }
0x4b: {  	_ =	shalt  }
0x4c: {  	_ =	shalt  }
0x4d: {  	_ =	shalt  }
0x4e: {  	_ =	shalt  }
0x4f: {  	_ =	shalt  }
0x50: {  	_ =	shalt  }
0x51: {  	_ =	shalt  }
0x52: {  	_ =	shalt  }
0x53: {  	_ =	shalt  }
0x54: {  	_ =	shalt  }
0x55: {  	_ =	shalt  }
0x56: {  	_ =	shalt  }
0x57: {  	_ =	shalt  }
0x58: {  	_ =	shalt  }
0x59: {  	_ =	shalt  }
0x5a: {  	_ =	shalt  }
0x5b: {  	_ =	shalt  }
0x5c: {  	_ =	shalt  }
0x5d: {  	_ =	shalt  }
0x5e: {  	_ =	shalt  }
0x5f: {  	_ =	shalt  }
0x60: {  	_ =	shalt  }
0x61: {  	_ =	shalt  }
0x62: {  	_ =	shalt  }
0x63: {  	_ =	shalt  }
0x64: {  	_ =	shalt  }
0x65: {  	_ =	shalt  }
0x66: {  	_ =	shalt  }
0x67: {  	_ =	shalt  }
0x68: {  	_ =	shalt  }
0x69: {  	_ =	shalt  }
0x6a: {  	_ =	shalt  }
0x6b: {  	_ =	shalt  }
0x6c: {  	_ =	shalt  }
0x6d: {  	_ =	shalt  }
0x6e: {  	_ =	shalt  }
0x6f: {  	_ =	shalt  }
0x70: {  	_ =	shalt  }
0x71: {  	_ =	shalt  }
0x72: {  	_ =	shalt  }
0x73: {  	_ =	shalt  }
0x74: {  	_ =	shalt  }
0x75: {  	_ =	shalt  }
0x76: {  	_ =	shalt  }
0x77: {  	_ =	shalt  }
0x78: {  	_ =	shalt  }
0x79: {  	_ =	shalt  }
0x7a: {  	_ =	shalt  }
0x7b: {  	_ =	shalt  }
0x7c: {  	_ =	shalt  }
0x7d: {  	_ =	shalt  }
0x7e: {  	_ =	shalt  }
0x7f: {  	_ =	shalt  }
0x80: {  	_ =	shalt  }
0x81: {  	_ =	shalt  }
0x82: {  	_ =	shalt  }
0x83: {  	_ =	shalt  }
0x84: {  	_ =	shalt  }
0x85: {  	_ =	shalt  }
0x86: {  	_ =	shalt  }
0x87: {  	_ =	shalt  }
.Lfunc_end0:
.L_simem_size_0:
called_computation_lowered:
.L_overlay_start_0:
0x88: {  	s2 =	sld [smem:$0x3FD9]  }
0x89: {  	s3 =	sld [smem:$0x3FFE];
	_ =	sdelay $0x1  }
0x8a: {  	s1 =	srdreg.scid  }
0x8b: {  	s0 =	sand.u32 $0x1, s1  }
0x8c: {  	s18 =	sshll.u32 s0, $0xA;
	s2 =	sadd.s32 s3, s2  }
0x8d: {  	s2 =	sadd.s32 s2, s18  }
0x8e: {  	[smem:$0x3FC6] =	sst s2  }
0x8f: {  	_ = 	snop  }
0x90: {  	s2 =	sld [smem:$0x3FC9]  }
0x91: {  	s19 =	sld [smem:$0x3FC8]  }
0x92: {  	s4 =	sld [smem:$0x3FD0];
	(tm) =	ssettm $0x1  }
0x93: {  	s5 =	sld [smem:$0x3FFB];
	_ =	sdelay $0x3  }
0x94: {  	_ =	strace s5  }
0x95: {  	s5 =	sld [smem:$0x3FFC];
	_ =	sdelay $0x3  }
0x96: {  	_ =	strace s5  }
0x97: {  	s5 =	sld [smem:$0x3FFD];
	_ =	sdelay $0x3  }
0x98: {  	_ =	strace s5  }
0x99: {  	_ =	strace $0x8FFFFFFF  }
0x9a: {  	s20 =	sld [smem:$0x3FDB];
	_ =	sdelay $0x1  }
0x9b: {  	s6 =	simm.s32 $_scs_section_size  }
0x9c: {  	s7 =	simm.s32 $_size__tile_overlayer_lowered;
	s8 =	simm.s32 $_tile_overlayer_lowered  }
0x9d: {  	s23 =	simm.s32 $0x1BFF;
	s22 =	sshll.u32 s8, $0x1;
	s5 =	sadd.s32 s6, s20  }
0x9e: {  	s9 =	simm.s32 $0x0;
	s21 =	sshll.u32 s7, $0x1;
	s7 =	sadd.s32 s22, s5  }
0x9f: {  	[timem:s9], [sflag:s23] =	dma.local [hbm:s7], s21  }
0xa0: {  	_ =	swait.ge [sflag:s23], s21  }
0xa1: {  	s6 =	ssub.s32 $0x0, s21;
	[sflag:s23] =	ssyncset.done $0x0  }
0xa2: {  	[sflag:s23] =	ssyncadd.s32 s6;
	_ =	sdelay $0x1  }
0xa3: {  	s24 =	simm.s32 $0x1B8B  }
0xa4: {  	_ =	swait.ge [sflag:s24], $0x1  }
0xa5: {  	[sflag:s24] =	ssyncset.done $0x0  }
0xa6: {  	s25 =	simm.s32 $0x1B8E;
	[sflag:s24] =	ssyncadd.s32 $0xFFFFFFFF  }
0xa7: {  	s26 =	simm.s32 $execute0_lowered;
	[smem:$0x3FD2] =	sst s25  }
0xa8: {  	s6 =	sshll.u32 s26, $0x1;
	_ =	strace $0x80000046;
	[dreg:$0x1] =	wrdreg $0xFFFFFFFF  }
0xa9: {  	s28 =	simm.s32 $_size_execute0_lowered;
	s5 =	sadd.s32 s5, s6;
	[dreg:$0x0] =	wrdreg $0x0  }
0xaa: {  	s6 =	sshll.u32 s28, $0x1;
	[dreg:$0x2] =	wrdreg s5  }
0xab: {  	[dreg:$0x3] =	wrdreg s6  }
0xac: {  	[dreg:$0x4] =	wrdreg $0xC0  }
0xad: {  	_ =	task [dreg:s9], $0x5FFFF  }
0xae: {  	[dreg:$0x1] =	wrdreg $0xFFFFFFFF  }
0xaf: {  	[dreg:$0x0] =	wrdreg $0x60  }
0xb0: {  	[dreg:$0x2] =	wrdreg s2  }
0xb1: {  	[dreg:$0x3] =	wrdreg s19  }
0xb2: {  	[dreg:$0x4] =	wrdreg s4  }
0xb3: {  	[dreg:$0x5] =	wrdreg $0x9  }
0xb4: {  	_ =	task.clear_ibuf [dreg:s9], $0x6FFFF;
	_ =	strace $0x90000046  }
0xb5: {  	s29 =	simm.s32 $0x9;
	_ =	strace $0x80000048  }
0xb6: {  	_ =	swait.ge [sflag:s29], $0x1  }
0xb7: {  	[sflag:s29] =	ssyncadd.s32 $0xFFFFFFFF  }
0xb8: {  	_ =	strace $0x90000048  }
0xb9: {  	_ =	sfence  }
0xba: {  	s30 =	sld [smem:$0x0];
	_ =	sdelay $0x2  }
0xbb: {  	s31 =	sshll.u32 s1, $0xD;
	s1 =	sshrl.u32 s1, $0x2  }
0xbc: {  	s3 =	sand.u32 $0x4000, s31;
	s1 =	sadd.s32 s1, s30  }
0xbd: {  	s0 =	sor.u32 s3, s0;
	s1 =	sshll.u32 s1, $0x11  }
0xbe: {  	s0 =	sor.u32 s1, s0  }
0xbf: {  	s0 =	sadd.s32 $0x8F2B, s0  }
0xc0: {  	[sflag:s0] =	ssyncadd.remote.s32 $0x1  }
0xc1: {  	_ =	sfence.sel $0xFFFF  }
0xc2: {  	[dreg:$0x0] =	wrdreg $0xFFFFFFFF;
	(pc) =	sbr.abs _section_cstart, $3  }
0xc3: {  	[dreg:$0x1] =	wrdreg $0xFFFFFFFF  }
0xc4: {  	_ =	task.clear_ibuf [dreg:s9], $0x2FFFF;
	_ =	strace $0x9FFFFFFF  }
0xc5: {  	(tm) =	ssettm $0x7FFFFFFF  }
tec
execute0_lowered:
.L_overlay_start_1:
0x0: {  	(tag) =	ssettag $0x1  }
0x1: {  	v0 =	vimm.s32 $0x1380  }
0x2: {  	vm0 =	vcmask $0x300;
	v1 =	vimm.s32 $0x3380;
	vm1 =	vcmask $0x704  }
0x3: {  	s0 =	rddreg [dreg:$0x0];
	vm15 =	vcmask $0xB08;
	v0 =	vsel vm0, $0x0, v0;
	v1 =	vsel vm0, $0x2000, v1  }
0x4: {  	vm4 =	vcmask $0xF0C;
	s3 =	rddreg [dreg:$0x2];
	v0 =	vsel vm1, $0x80, v0;
	v1 =	vsel vm1, $0x2080, v1  }
0x5: {  	s1 =	srdreg.scid;
	vm5 =	vcmask $0x1310;
	s4 =	stileid.u32;
	v0 =	vsel vm15, $0x100, v0;
	v1 =	vsel vm15, $0x2100, v1  }
0x6: {  	vm6 =	vcmask $0x1714;
	s5 =	simm.s32 $0x0;
	s15 =	simm.s32 $0x1000;
	s16 =	simm.s32 $0x7A1400;
	v0 =	vsel vm4, $0x180, v0;
	v1 =	vsel vm4, $0x2180, v1  }
0x7: {  	vm7 =	vcmask $0x1B18;
	s17 =	simm.s32 $0x4000;
	s18 =	simm.s32 $0x1;
	s19 =	simm.s32 $0x8000;
	v0 =	vsel vm5, $0x200, v0;
	v1 =	vsel vm5, $0x2200, v1  }
0x8: {  	vm8 =	vcmask $0x1F1C;
	s20 =	simm.s32 $0xC000;
	s1 =	sand.u32 $0x1, s1;
	s4 =	sshll.u32 s4, $0x1;
	v0 =	vsel vm6, $0x280, v0;
	v1 =	vsel vm6, $0x2280, v1  }
0x9: {  	[smem:$0x7FF] =	sst s5;
	s25 =	sadd.s32 $0x3D0800, s3;
	s30 =	sadd.s32 $0xF4000, s0;
	v0 =	vsel vm7, $0x300, v0;
	v1 =	vsel vm7, $0x2300, v1  }
0xa: {  	vm9 =	vcmask $0x2320;
	s31 =	sadd.s32 $0x3D0000, s3;
	_ =	strace $0x80000047;
	[dreg:$0x4] =	wrdreg s25;
	v0 =	vsel vm8, $0x380, v0;
	v1 =	vsel vm8, $0x2380, v1  }
0xb: {  	vm10 =	vcmask $0x2724;
	s2 =	ssub.s32 $0x2, s1;
	s1 =	sor.u32 s1, s4;
	[dreg:$0x7] =	wrdreg s30;
	v0 =	vsel vm9, $0x1000, v0;
	v1 =	vsel vm9, $0x3000, v1  }
0xc: {  	vm11 =	vcmask $0x2B28;
	[dreg:$0x8] =	wrdreg s31;
	s6 =	sshrl.u32 s2, $0x1;
	s4 =	sshll.u32 s1, $0xB;
	v0 =	vsel vm10, $0x1080, v0;
	v1 =	vsel vm10, $0x3080, v1  }
.Ltmp0:
0xd: {  	vm12 =	vcmask $0x2F2C;
	s26 =	sshll.u32 s1, $0x9;
	s9 =	sor.u32 $0x40, s1;
	v0 =	vsel vm11, $0x1100, v0;
	v1 =	vsel vm11, $0x3100, v1;
	(pc) =	sbr.rel .LBB2_1-.Ltmp0, $4  }
0xe: {  	vm13 =	vcmask $0x3330;
	s14 =	sor.u32 $0x20, s1;
	s7 =	sadd.s32 s3, s4;
	s28 =	sadd.s32 s0, s26;
	v0 =	vsel vm12, $0x1180, v0;
	v1 =	vsel vm12, $0x3180, v1  }
0xf: {  	vm14 =	vcmask $0x3734;
	s2 =	ssub.s32 s2, s6;
	[dreg:$0x5] =	wrdreg s28;
	s29 =	sadd.s32 $0x3C0000, s7;
	v0 =	vsel vm13, $0x1200, v0;
	v1 =	vsel vm13, $0x3200, v1  }
0x10: {  	p0 =	sne.s32 s1, $0x0;
	vm15 =	vcmask $0x3B38;
	s2 =	smax.u32 s2, $0x1;
	[dreg:$0x6] =	wrdreg s29;
	v0 =	vsel vm14, $0x1280, v0;
	v1 =	vsel vm14, $0x3280, v1  }
0x11: {  	p1 =	sne.s32 s1, $0x1F;
	[dreg:$0x9] =	wrdreg s2;
	s2 =	simm.s32 $0x0;
	v0 =	vsel vm15, $0x1300, v0;
	v1 =	vsel vm15, $0x3300, v1  }
.LBB2_13:
0x12: {  	_ =	swait.ge [sflag:s29], $0x4000  }
0x13: {  	s2 =	sadd.s32 $0x1, s2;
	s1 =	rddreg [dreg:$0x9]  }
0x14: {  	p2 =	sne.s32 s2, s1  }
.Ltmp1:
0x15: {  	_ = 	snop;
	(pc) =	sbr.rel @!p2 .LBB2_14-.Ltmp1, $3  }
0x16: {  	_ =	sdelay $0x1  }
0x17: {  	[sflag:s29] =	ssyncset.done $0x0  }
0x18: {  	[sflag:s29] =	ssyncadd.s32 $0xFFFFC000  }
.LBB2_1:
0x19: {  	[dreg:$0xa] =	wrdreg s2  }
0x1a: {  	s1 =	simm.s32 @!p0 $0x0;
	s2 =	simm.s32 @!p0 $0x8000;
	s4 =	rddreg [dreg:$0x1]  }
0x1b: {  	[tilespmem:s2], [sflag:$0x3] =	stream.linear.gather @!p0 [hbm4b:s4+s1], $0x800, $0x38;
	[tilespmem:$0x10000] =	vst v63  }
0x1c: {  	s4 =	simm.s32 @!p0 $0x3  }
0x1d: {  	_ =	swait.ge @!p0 [sflag:s4], $0x800  }
0x1e: {  	[sflag:s4] =	ssyncset.done @!p0 $0x0  }
0x1f: {  	s6 =	rddreg [dreg:$0x4];
	[sflag:s4] =	ssyncadd.s32 @!p0 $0xFFFFF800  }
0x20: {  	[hbm4b:s6+s1] =	stream.linear.scatter @!p0 [tilespmem:s2], [sflag:$0x3], $0x800, $0x38;
	[tilespmem:$0x10000] =	vst v63  }
0x21: {  	_ =	swait.ge @!p0 [sflag:s4], $0x800  }
0x22: {  	[sflag:s4] =	ssyncset.done @!p0 $0x0  }
0x23: {  	s24 =	simm.s32 $0x0;
	s31 =	rddreg [dreg:$0x5];
	[sflag:s4] =	ssyncadd.s32 @!p0 $0xFFFFF800  }
0x24: {  	[tilespmem:s5], [sflag:$0x1] =	stream.strided.gather [hbm4b:s31+s15], $0x4000, s16, s15, $0x38;
	[tilespmem:$0x10000] =	vst v63  }
.LBB2_2:
0x25: {  	s1 =	simm.s32 $0x0;
	s2 =	simm.s32 $0xC  }
0x26: {  	s4 =	simm.s32 $0x4;
	s8 =	simm.s32 $0x8;
	s26 =	sshll.u32 s24, $0x6  }
0x27: {  	s22 =	simm.s32 $0x2;
	v2 =	vmov s1;
	s6 =	sand.u32 $0x180, s1;
	s2 =	sand.u32 $0x7C, s2  }
0x28: {  	s4 =	sand.u32 $0x74, s4;
	s8 =	sand.u32 $0x78, s8;
	s25 =	sor.u32 s14, s26;
	v19 =	vmov s22;
	v3 =	vshll.u32 v2, $0x3;
	v2 =	vand.u32 $0x70, v2  }
0x29: {  	s2 =	sor.u32 s6, s2;
	s1 =	sor.u32 s6, s4;
	s4 =	sor.u32 s6, s8;
	v22 =	vshll.u32 v19, $0x3;
	v19 =	vand.u32 $0x72, v19;
	v3 =	vand.u32 $0xC00, v3  }
0x2a: {  	s10 =	sshll.u32 s25, $0x9;
	v4 =	vmov s2;
	v6 =	vmov s4;
	v2 =	vor.u32 v2, v3  }
0x2b: {  	s6 =	sadd.s32 s0, s10;
	s11 =	sor.u32 $0x1, s1;
	v3 =	vmov s1;
	v5 =	vshll.u32 v4, $0x3;
	v4 =	vand.u32 $0x7C, v4  }
0x2c: {  	s12 =	sor.u32 $0x1, s4;
	s10 =	simm.s32 $0x1;
	s13 =	sor.u32 $0x1, s2;
	v8 =	vshll.u32 v6, $0x3;
	v6 =	vand.u32 $0x78, v6;
	v10 =	vmov s11  }
0x2d: {  	v11 =	vmov s12;
	v12 =	vmov s10;
	v16 =	vmov s13  }
0x2e: {  	[tilespmem:s17], [sflag:$0x1] =	stream.strided.gather [hbm4b:s6+s15], $0x4000, s16, s15, $0x38;
	v7 =	vshll.u32 v3, $0x3;
	v5 =	vand.u32 $0xC00, v5;
	v3 =	vand.u32 $0x74, v3;
	[tilespmem:$0x10000] =	vst v63  }
0x2f: {  	v8 =	vand.u32 $0xC00, v8;
	_ =	swait.ge [sflag:s18], $0x4000;
	v9 =	vor.u32 v0, v2;
	v2 =	vor.u32 v1, v2  }
0x30: {  	p2 =	seq.s32 s24, $0x0;
	v13 =	vshll.u32 v10, $0x3;
	v14 =	vshll.u32 v12, $0x3;
	v4 =	vor.u32 v4, v5;
	[sflag:s18] =	ssyncset.done $0x0  }
0x31: {  	s6 =	simm.s32 @!p2 $0x2;
	v7 =	vand.u32 $0xC00, v7;
	v5 =	vor.u32 v6, v8;
	v6 =	vor.u32 v0, v4;
	[sflag:s18] =	ssyncadd.s32 $0xFFFFC000  }
0x32: {  	v15 =	vshll.u32 v11, $0x3;
	v3 =	vor.u32 v3, v7;
	v8 =	vor.u32 v0, v5;
	_ =	swait.ge @!p2 [sflag:s6], $0x4000  }
0x33: {  	s11 =	simm.s32 $0x3;
	v10 =	vand.u32 $0x75, v10;
	v11 =	vand.u32 $0x79, v11;
	v7 =	vor.u32 v0, v3;
	[sflag:s6] =	ssyncset.done @!p2 $0x0  }
0x34: {  	v12 =	vand.u32 $0x71, v12;
	v23 =	vmov s11;
	v13 =	vand.u32 $0xC00, v13;
	[sflag:s6] =	ssyncadd.s32 @!p2 $0xFFFFC000  }
0x35: {  	v15 =	vand.u32 $0xC00, v15;
	v14 =	vand.u32 $0xC00, v14;
	v25 =	vshll.u32 v23, $0x3;
	v9 =	vld.idx.msk [tilespmem:v9+s5+$0x0], $0xffff  }
0x36: {  	v5 =	vor.u32 v1, v5;
	v4 =	vor.u32 v1, v4;
	v10 =	vor.u32 v10, v13;
	v6 =	vld.idx.msk [tilespmem:v6+s5+$0x0], $0xffff  }
0x37: {  	v13 =	vshll.u32 v16, $0x3;
	v11 =	vor.u32 v11, v15;
	v15 =	vand.u32 $0x7D, v16;
	v8 =	vld.idx.msk [tilespmem:v8+s5+$0x0], $0xffff  }
0x38: {  	v12 =	vor.u32 v12, v14;
	v3 =	vor.u32 v1, v3;
	v13 =	vand.u32 $0xC00, v13;
	v7 =	vld.idx.msk [tilespmem:v7+s5+$0x0], $0xffff  }
0x39: {  	s28 =	simm.s32 $0x8100;
	s21 =	sor.u32 $0x2, s1;
	v14 =	vor.u32 v0, v10;
	v16 =	vor.u32 v0, v11;
	v18 =	vor.u32 v1, v10  }
0x3a: {  	v10 =	vmov s21;
	v13 =	vor.u32 v15, v13;
	v15 =	vor.u32 v0, v12;
	[tilespmem:s28+$0xFFFFFF00] =	vst v9  }
0x3b: {  	s23 =	sor.u32 $0x2, s4;
	v12 =	vor.u32 v1, v12;
	v20 =	vshll.u32 v10, $0x3;
	v10 =	vand.u32 $0x76, v10;
	[tilespmem:s28+$0x80] =	vst v6;
	v2 =	vld.idx.msk [tilespmem:v2+s5+$0x0], $0xffff  }
0x3c: {  	v17 =	vor.u32 v0, v13;
	v20 =	vand.u32 $0xC00, v20;
	v6 =	vmov s23;
	[tilespmem:s28+$0x0] =	vst v8;
	v4 =	vld.idx.msk [tilespmem:v4+s5+$0x0], $0xffff  }
0x3d: {  	v13 =	vor.u32 v1, v13;
	v10 =	vor.u32 v10, v20;
	v21 =	vshll.u32 v6, $0x3;
	[tilespmem:s28+$0xFFFFFF80] =	vst v7;
	v8 =	vld.idx.msk [tilespmem:v5+s5+$0x0], $0xffff  }
0x3e: {  	s12 =	sor.u32 $0x2, s2;
	v6 =	vand.u32 $0x7A, v6;
	v7 =	vand.u32 $0xC00, v21;
	v21 =	vand.u32 $0xC00, v22;
	v3 =	vld.idx.msk [tilespmem:v3+s5+$0x0], $0xffff  }
0x3f: {  	s4 =	sor.u32 $0x3, s4;
	v9 =	vmov s12;
	v6 =	vor.u32 v6, v7;
	v7 =	vor.u32 v19, v21  }
0x40: {  	v19 =	vor.u32 v0, v10;
	v21 =	vor.u32 v1, v10;
	v10 =	vmov s4;
	[tilespmem:s28+$0xFFFFFF10] =	vst v2  }
0x41: {  	s1 =	sor.u32 $0x3, s1;
	v20 =	vor.u32 v0, v7;
	v22 =	vor.u32 v0, v6;
	v24 =	vshll.u32 v10, $0x3;
	[tilespmem:s28+$0x90] =	vst v4  }
0x42: {  	v5 =	vor.u32 v1, v7;
	v4 =	vmov s1;
	[tilespmem:s28+$0x10] =	vst v8;
	v8 =	vand.u32 $0xC00, v24;
	v15 =	vld.idx.msk [tilespmem:v15+s5+$0x0], $0xffff  }
0x43: {  	v7 =	vld.idx.msk [tilespmem:v17+s5+$0x0], $0xffff;
	v17 =	vor.u32 v1, v6;
	v6 =	vshll.u32 v4, $0x3;
	[tilespmem:s28+$0xFFFFFF90] =	vst v3;
	v3 =	vshll.u32 v9, $0x3  }
0x44: {  	v9 =	vand.u32 $0x7E, v9;
	v14 =	vld.idx.msk [tilespmem:v14+s5+$0x0], $0xffff;
	v3 =	vand.u32 $0xC00, v3;
	v6 =	vand.u32 $0xC00, v6  }
0x45: {  	v16 =	vld.idx.msk [tilespmem:v16+s5+$0x0], $0xffff;
	v9 =	vor.u32 v9, v3;
	v3 =	vand.u32 $0x77, v4;
	v4 =	vand.u32 $0x7B, v10  }
0x46: {  	v11 =	vor.u32 v1, v11;
	v3 =	vor.u32 v3, v6;
	v24 =	vor.u32 v4, v8  }
0x47: {  	v10 =	vand.u32 $0xC00, v25;
	v8 =	vor.u32 v0, v24;
	v4 =	vor.u32 v1, v3;
	[tilespmem:s28+$0xFFFFFF20] =	vst v15  }
0x48: {  	s13 =	simm.s32 $0x10;
	[tilespmem:s28+$0xA0] =	vst v7;
	v7 =	vand.u32 $0x73, v23;
	v23 =	vor.u32 v0, v9;
	v9 =	vor.u32 v1, v9;
	v12 =	vld.idx.msk [tilespmem:v12+s5+$0x0], $0xffff  }
0x49: {  	s21 =	simm.s32 $0x1C;
	s12 =	simm.s32 $0x18;
	v2 =	vmov s13;
	v13 =	vld.idx.msk [tilespmem:v13+s5+$0x0], $0xffff;
	v7 =	vor.u32 v7, v10;
	v10 =	vor.u32 v0, v3;
	[tilespmem:s28+$0xFFFFFFA0] =	vst v14  }
0x4a: {  	s10 =	sand.u32 $0x7C, s21;
	s23 =	sand.u32 $0x180, s13;
	s13 =	sand.u32 $0x78, s12;
	[tilespmem:s28+$0x20] =	vst v16;
	v14 =	vand.u32 $0x70, v2;
	v2 =	vshll.u32 v2, $0x3;
	v3 =	vor.u32 v1, v24;
	v18 =	vld.idx.msk [tilespmem:v18+s5+$0x0], $0xffff  }
0x4b: {  	s22 =	simm.s32 $0x14;
	s29 =	sor.u32 s23, s10;
	s4 =	sor.u32 s23, s13;
	v6 =	vor.u32 v0, v7;
	v16 =	vand.u32 $0xC00, v2;
	v2 =	vor.u32 v1, v7;
	v7 =	vld.idx.msk [tilespmem:v11+s5+$0x0], $0xffff  }
0x4c: {  	s11 =	sand.u32 $0x74, s22;
	v24 =	vmov s4;
	v11 =	vor.u32 v14, v16;
	v14 =	vmov s29  }
0x4d: {  	s1 =	sor.u32 s23, s11;
	v25 =	vshll.u32 v24, $0x3;
	v24 =	vand.u32 $0x78, v24;
	v16 =	vshll.u32 v14, $0x3;
	[tilespmem:s28+$0xFFFFFF30] =	vst v12  }
0x4e: {  	v14 =	vand.u32 $0x7C, v14;
	v16 =	vand.u32 $0xC00, v16;
	[tilespmem:s28+$0xB0] =	vst v13;
	v13 =	vmov s1  }
0x4f: {  	s2 =	sor.u32 $0x3, s2;
	v12 =	vor.u32 v0, v11;
	v14 =	vor.u32 v14, v16;
	v23 =	vld.idx.msk [tilespmem:v23+s5+$0x0], $0xffff;
	v15 =	vshll.u32 v13, $0x3;
	[tilespmem:s28+$0xFFFFFFB0] =	vst v18  }
0x50: {  	v16 =	vor.u32 v0, v14;
	v18 =	vmov s2;
	[tilespmem:s28+$0x30] =	vst v7;
	v7 =	vand.u32 $0x74, v13  }
0x51: {  	v13 =	vand.u32 $0xC00, v25;
	v15 =	vand.u32 $0xC00, v15;
	v25 =	vshll.u32 v18, $0x3  }
0x52: {  	v22 =	vld.idx.msk [tilespmem:v22+s5+$0x0], $0xffff;
	v18 =	vand.u32 $0x7F, v18;
	v25 =	vand.u32 $0xC00, v25;
	v7 =	vor.u32 v7, v15  }
0x53: {  	v19 =	vld.idx.msk [tilespmem:v19+s5+$0x0], $0xffff;
	v13 =	vor.u32 v24, v13;
	v15 =	vor.u32 v18, v25;
	v18 =	vor.u32 v0, v7  }
0x54: {  	s10 =	sor.u32 $0x1, s29;
	s22 =	sor.u32 $0x1, s4;
	v25 =	vor.u32 v1, v13;
	[tilespmem:s28+$0xC0] =	vst v23;
	v23 =	vor.u32 v0, v13;
	v13 =	vld.idx.msk [tilespmem:v20+s5+$0x0], $0xffff  }
0x55: {  	v59 =	vmov s10;
	v26 =	vmov s22;
	v16 =	vld.idx.msk [tilespmem:v16+s5+$0x0], $0xffff  }
0x56: {  	s21 =	sor.u32 $0x1, s1;
	v28 =	vshll.u32 v26, $0x3;
	v14 =	vor.u32 v1, v14;
	v7 =	vor.u32 v1, v7;
	v9 =	vld.idx.msk [tilespmem:v9+s5+$0x0], $0xffff  }
0x57: {  	s23 =	simm.s32 $0x11;
	v12 =	vld.idx.msk [tilespmem:v12+s5+$0x0], $0xffff;
	v24 =	vor.u32 v0, v15;
	v20 =	vor.u32 v1, v11;
	v11 =	vmov s21;
	[tilespmem:s28+$0x40] =	vst v22  }
0x58: {  	v15 =	vor.u32 v1, v15;
	[tilespmem:s28+$0xFFFFFFC0] =	vst v19;
	v19 =	vmov s23;
	v27 =	vshll.u32 v11, $0x3;
	v17 =	vld.idx.msk [tilespmem:v17+s5+$0x0], $0xffff  }
0x59: {  	s30 =	simm.s32 $0x8300;
	s23 =	simm.s32 $0x13;
	v22 =	vshll.u32 v19, $0x3;
	v27 =	vand.u32 $0xC00, v27;
	v19 =	vand.u32 $0x71, v19;
	v18 =	vld.idx.msk [tilespmem:v18+s5+$0x0], $0xffff;
	[tilespmem:s28+$0xFFFFFF40] =	vst v13  }
0x5a: {  	v61 =	vmov s23;
	v22 =	vand.u32 $0xC00, v22;
	v13 =	vshll.u32 v59, $0x3;
	v23 =	vld.idx.msk [tilespmem:v23+s5+$0x0], $0xffff;
	[tilespmem:s30+$0x80] =	vst v16  }
0x5b: {  	s11 =	sor.u32 $0x2, s1;
	v16 =	vor.u32 v19, v22;
	[tilespmem:s28+$0xD0] =	vst v9;
	v9 =	vand.u32 $0x75, v11;
	v11 =	vand.u32 $0x79, v26;
	v30 =	vld.idx.msk [tilespmem:v5+s5+$0x0], $0xffff  }
0x5c: {  	[tilespmem:s30+$0xFFFFFF00] =	vst v12;
	v26 =	vand.u32 $0xC00, v28;
	v13 =	vand.u32 $0xC00, v13;
	v5 =	vmov s11;
	v24 =	vld.idx.msk [tilespmem:v24+s5+$0x0], $0xffff  }
0x5d: {  	s1 =	sor.u32 $0x3, s1;
	v20 =	vld.idx.msk [tilespmem:v20+s5+$0x0], $0xffff;
	v9 =	vor.u32 v9, v27;
	v26 =	vor.u32 v11, v26;
	v11 =	vand.u32 $0x7D, v59  }
0x5e: {  	v14 =	vld.idx.msk [tilespmem:v14+s5+$0x0], $0xffff;
	v27 =	vor.u32 v0, v16;
	[tilespmem:s28+$0x50] =	vst v17;
	v17 =	vmov s1;
	v22 =	vor.u32 v11, v13  }
0x5f: {  	s12 =	sor.u32 $0x2, s4;
	v19 =	vor.u32 v0, v9;
	v60 =	vor.u32 v0, v26;
	[tilespmem:s30+$0xFFFFFF80] =	vst v18;
	v29 =	vor.u32 v0, v22  }
0x60: {  	v21 =	vld.idx.msk [tilespmem:v21+s5+$0x0], $0xffff;
	v11 =	vor.u32 v1, v16;
	v16 =	vor.u32 v1, v9;
	v9 =	vmov s12;
	[tilespmem:s30+$0x0] =	vst v23  }
0x61: {  	s13 =	simm.s32 $0x12;
	v13 =	vor.u32 v1, v26;
	v22 =	vor.u32 v1, v22;
	v23 =	vshll.u32 v9, $0x3;
	v25 =	vld.idx.msk [tilespmem:v25+s5+$0x0], $0xffff;
	[tilespmem:s28+$0xE0] =	vst v24  }
0x62: {  	v9 =	vand.u32 $0x7A, v9;
	[tilespmem:s30+$0xFFFFFF10] =	vst v20;
	v20 =	vshll.u32 v61, $0x3;
	v18 =	vld.idx.msk [tilespmem:v15+s5+$0x0], $0xffff;
	v15 =	vmov s13  }
0x63: {  	v23 =	vand.u32 $0xC00, v23;
	[tilespmem:s30+$0x90] =	vst v14;
	v20 =	vand.u32 $0xC00, v20;
	v24 =	vld.idx.msk [tilespmem:v7+s5+$0x0], $0xffff;
	v26 =	vshll.u32 v15, $0x3  }
0x64: {  	v7 =	vshll.u32 v5, $0x3;
	v5 =	vand.u32 $0x76, v5;
	v12 =	vand.u32 $0xC00, v26;
	v26 =	vld.idx.msk [tilespmem:v29+s5+$0x0], $0xffff  }
0x65: {  	[tilespmem:s28+$0xFFFFFFD0] =	vst v21;
	v9 =	vor.u32 v9, v23;
	v7 =	vand.u32 $0xC00, v7;
	v14 =	vand.u32 $0x72, v15  }
0x66: {  	v10 =	vld.idx.msk [tilespmem:v10+s5+$0x0], $0xffff;
	v5 =	vor.u32 v5, v7;
	v15 =	vor.u32 v0, v9;
	v9 =	vor.u32 v1, v9  }
0x67: {  	s22 =	sor.u32 $0x2, s29;
	v7 =	vor.u32 v1, v5;
	v21 =	vor.u32 v14, v12;
	v14 =	vor.u32 v0, v5;
	[tilespmem:s30+$0x10] =	vst v25  }
0x68: {  	s21 =	sor.u32 $0x3, s4;
	v25 =	vmov s22;
	v12 =	vor.u32 v0, v21;
	v5 =	vor.u32 v1, v21;
	[tilespmem:s30+$0xFFFFFF90] =	vst v24;
	v23 =	vld.idx.msk [tilespmem:v60+s5+$0x0], $0xffff  }
0x69: {  	v21 =	vmov s21;
	v31 =	vand.u32 $0x7E, v25;
	v24 =	vld.idx.msk [tilespmem:v19+s5+$0x0], $0xffff;
	[tilespmem:s30+$0xA0] =	vst v26;
	v26 =	vshll.u32 v25, $0x3  }
0x6a: {  	v19 =	vshll.u32 v17, $0x3;
	v62 =	vshll.u32 v21, $0x3;
	v25 =	vld.idx.msk [tilespmem:v27+s5+$0x0], $0xffff;
	v26 =	vand.u32 $0xC00, v26  }
0x6b: {  	[tilespmem:s28+$0xFFFFFF50] =	vst v30;
	v17 =	vand.u32 $0x77, v17;
	v27 =	vand.u32 $0xC00, v19;
	v22 =	vld.idx.msk [tilespmem:v22+s5+$0x0], $0xffff;
	v19 =	vor.u32 v31, v26  }
0x6c: {  	[tilespmem:s28+$0xF0] =	vst v18;
	v63 =	vand.u32 $0x7B, v21;
	v18 =	vld.idx.msk [tilespmem:v8+s5+$0x0], $0xffff;
	v8 =	vand.u32 $0x73, v61;
	v26 =	vor.u32 v0, v19  }
0x6d: {  	[tilespmem:s28+$0xFFFFFFE0] =	vst v10;
	v28 =	vand.u32 $0xC00, v62;
	v20 =	vor.u32 v8, v20;
	v21 =	vor.u32 v17, v27  }
0x6e: {  	s31 =	simm.s32 $0x8300;
	s2 =	simm.s32 $0x4;
	s4 =	simm.s32 $0x20;
	v17 =	vld.idx.msk [tilespmem:v6+s5+$0x0], $0xffff;
	v6 =	vor.u32 v0, v21;
	[tilespmem:s30+$0xFFFFFFA0] =	vst v24;
	v24 =	vor.u32 v63, v28  }
.LBB2_3:
0x6f: {  	v27 =	vmov s4;
	s1 =	sadd.s32 $0x4, s4;
	s6 =	sadd.s32 $0xC, s4;
	s2 =	sadd.s32 $0x4, s2;
	v8 =	vor.u32 v0, v20;
	v16 =	vld.idx.msk [tilespmem:v16+s5+$0x0], $0xffff;
	[tilespmem:s30+$0x20] =	vst v23;
	v10 =	vor.u32 v0, v24  }
0x70: {  	s8 =	sand.u32 $0x180, s4;
	v21 =	vor.u32 v1, v21;
	v23 =	vand.u32 $0x70, v27;
	v27 =	vshll.u32 v27, $0x3;
	s6 =	sand.u32 $0x7C, s6;
	p3 =	slt.u32 s2, $0x7C;
	v13 =	vld.idx.msk [tilespmem:v13+s5+$0x0], $0xffff;
	[tilespmem:s30+$0xB0] =	vst v22  }
0x71: {  	s11 =	sadd.s32 $0x8, s4;
	v20 =	vor.u32 v1, v20;
	v24 =	vor.u32 v1, v24;
	s1 =	sand.u32 $0x74, s1;
	v22 =	vand.u32 $0xC00, v27;
	s21 =	sor.u32 s8, s6;
	[tilespmem:s30+$0xFFFFFF20] =	vst v25;
	v25 =	vld.idx.msk [tilespmem:v26+s5+$0x0], $0xffff  }
0x72: {  	s10 =	sadd.s32 $0x1, s4;
	s1 =	sor.u32 s8, s1;
	s6 =	sand.u32 $0x78, s11;
	v22 =	vor.u32 v23, v22;
	v23 =	vmov s21;
	v11 =	vld.idx.msk [tilespmem:v11+s5+$0x0], $0xffff;
	[tilespmem:s28+$0x60] =	vst v18  }
0x73: {  	v19 =	vor.u32 v1, v19;
	v18 =	vmov s1;
	s13 =	sor.u32 $0x1, s1;
	s22 =	sor.u32 $0x2, s1;
	s11 =	sor.u32 s8, s6;
	v26 =	vshll.u32 v23, $0x3;
	[tilespmem:s28+$0xFFFFFF60] =	vst v17;
	v17 =	vld.idx.msk [tilespmem:v4+s5+$0x0], $0xffff;
	v4 =	vmovc v21  }
0x74: {  	s6 =	sadd.s32 $0x2, s4;
	v21 =	vmov s11;
	s23 =	sor.u32 $0x1, s11;
	s8 =	sor.u32 $0x2, s11;
	v23 =	vand.u32 $0x7C, v23;
	v26 =	vand.u32 $0xC00, v26;
	v27 =	vld.idx.msk [tilespmem:v3+s5+$0x0], $0xffff;
	v3 =	vmovc v24  }
0x75: {  	s29 =	sor.u32 $0x3, s29;
	s12 =	sor.u32 $0x3, s1;
	s1 =	sor.u32 $0x3, s11;
	v24 =	vshll.u32 v18, $0x3;
	v28 =	vshll.u32 v21, $0x3;
	v23 =	vor.u32 v23, v26;
	[tilespmem:s30+$0xFFFFFFB0] =	vst v16;
	v16 =	vld.idx.msk [tilespmem:v2+s5+$0x0], $0xffff;
	v2 =	vmovc v20  }
0x76: {  	s11 =	sadd.s32 $0x3, s4;
	v20 =	vand.u32 $0xC00, v24;
	v24 =	vor.u32 v0, v23;
	v14 =	vld.idx.msk [tilespmem:v14+s5+$0x0], $0xffff;
	[tilespmem:s30+$0x30] =	vst v13;
	v13 =	vmov s29;
	s29 =	smov.u32 s21  }
0x77: {  	v18 =	vand.u32 $0x74, v18;
	v26 =	vand.u32 $0xC00, v28;
	v15 =	vld.idx.msk [tilespmem:v15+s5+$0x0], $0xffff;
	[tilespmem:s30+$0xC0] =	vst v25;
	v25 =	vshll.u32 v13, $0x3  }
0x78: {  	v21 =	vand.u32 $0x78, v21;
	v13 =	vand.u32 $0x7F, v13;
	[tilespmem:s30+$0xFFFFFF30] =	vst v11;
	v11 =	vld.idx.msk [tilespmem:v19+s5+$0x0], $0xffff;
	v19 =	vand.u32 $0xC00, v25  }
0x79: {  	v18 =	vor.u32 v18, v20;
	v20 =	vor.u32 v21, v26;
	v12 =	vld.idx.msk [tilespmem:v12+s5+$0x0], $0xffff;
	v13 =	vor.u32 v13, v19  }
0x7a: {  	v21 =	vor.u32 v0, v20;
	v19 =	vor.u32 v0, v18;
	v25 =	vor.u32 v0, v13;
	[tilespmem:s28+$0xFFFFFFF0] =	vst v17  }
0x7b: {  	v20 =	vor.u32 v1, v20;
	v18 =	vor.u32 v1, v18;
	v17 =	vor.u32 v0, v22;
	v24 =	vld.idx.msk [tilespmem:v24+s5+$0x0], $0xffff  }
0x7c: {  	v28 =	vmov s23;
	v26 =	vmov s13;
	v22 =	vor.u32 v1, v22;
	[tilespmem:s30+$0xFFFFFFC0] =	vst v14  }
0x7d: {  	v23 =	vor.u32 v1, v23;
	v29 =	vshll.u32 v26, $0x3;
	v14 =	vmov s10;
	v7 =	vld.idx.msk [tilespmem:v7+s5+$0x0], $0xffff;
	[tilespmem:s30+$0x40] =	vst v15  }
0x7e: {  	v30 =	vshll.u32 v28, $0x3;
	v29 =	vand.u32 $0xC00, v29;
	v15 =	vshll.u32 v14, $0x3;
	v9 =	vld.idx.msk [tilespmem:v9+s5+$0x0], $0xffff;
	[tilespmem:s30+$0xD0] =	vst v11  }
0x7f: {  	s10 =	sor.u32 $0x1, s29;
	v11 =	vand.u32 $0x75, v26;
	v26 =	vand.u32 $0x79, v28;
	v28 =	vand.u32 $0xC00, v30;
	[tilespmem:s30+$0xFFFFFF40] =	vst v12;
	v12 =	vld.idx.msk [tilespmem:v25+s5+$0x0], $0xffff  }
0x80: {  	v14 =	vand.u32 $0x71, v14;
	v15 =	vand.u32 $0xC00, v15;
	v25 =	vmov s10;
	s30 =	sadd.s32 $0x200, s30;
	v19 =	vld.idx.msk [tilespmem:v19+s5+$0x0], $0xffff;
	[tilespmem:s28+$0x70] =	vst v27  }
0x81: {  	v27 =	vor.u32 v11, v29;
	v11 =	vshll.u32 v25, $0x3;
	v21 =	vld.idx.msk [tilespmem:v21+s5+$0x0], $0xffff;
	[tilespmem:s30+$0x80] =	vst v24;
	v24 =	vor.u32 v1, v13  }
0x82: {  	v25 =	vand.u32 $0x7D, v25;
	v13 =	vor.u32 v26, v28;
	v11 =	vand.u32 $0xC00, v11;
	v23 =	vld.idx.msk [tilespmem:v23+s5+$0x0], $0xffff;
	[tilespmem:s28+$0xFFFFFF70] =	vst v16;
	s28 =	smov.u32 s31;
	s31 =	smov.u32 s30  }
0x83: {  	v14 =	vor.u32 v14, v15;
	v26 =	vor.u32 v0, v27;
	v15 =	vor.u32 v25, v11;
	v17 =	vld.idx.msk [tilespmem:v17+s5+$0x0], $0xffff  }
0x84: {  	v25 =	vor.u32 v0, v14;
	v28 =	vor.u32 v0, v13;
	v29 =	vor.u32 v0, v15;
	v30 =	vld.idx.msk [tilespmem:v5+s5+$0x0], $0xffff  }
0x85: {  	v11 =	vor.u32 v1, v14;
	v16 =	vor.u32 v1, v27;
	v13 =	vor.u32 v1, v13;
	[tilespmem:s28+$0xE0] =	vst v12  }
0x86: {  	v5 =	vmov s22;
	v12 =	vmov s8;
	[tilespmem:s30+$0xFFFFFF80] =	vst v19;
	v19 =	vld.idx.msk [tilespmem:v24+s5+$0x0], $0xffff  }
0x87: {  	v14 =	vmov s6;
	v24 =	vshll.u32 v5, $0x3;
	v18 =	vld.idx.msk [tilespmem:v18+s5+$0x0], $0xffff;
	[tilespmem:s30+$0x0] =	vst v21;
	v21 =	vshll.u32 v12, $0x3  }
0x88: {  	v27 =	vshll.u32 v14, $0x3;
	v24 =	vand.u32 $0xC00, v24;
	v20 =	vld.idx.msk [tilespmem:v20+s5+$0x0], $0xffff;
	v21 =	vand.u32 $0xC00, v21;
	[tilespmem:s30+$0x90] =	vst v23  }
0x89: {  	v5 =	vand.u32 $0x76, v5;
	v12 =	vand.u32 $0x7A, v12;
	[tilespmem:s30+$0xFFFFFF00] =	vst v17;
	v17 =	vand.u32 $0xC00, v27;
	v27 =	vld.idx.msk [tilespmem:v29+s5+$0x0], $0xffff  }
0x8a: {  	v14 =	vand.u32 $0x72, v14;
	v5 =	vor.u32 v5, v24;
	v21 =	vor.u32 v12, v21;
	v22 =	vld.idx.msk [tilespmem:v22+s5+$0x0], $0xffff;
	[tilespmem:s28+$0xFFFFFFD0] =	vst v7  }
0x8b: {  	v24 =	vor.u32 v1, v15;
	v17 =	vor.u32 v14, v17;
	v14 =	vor.u32 v0, v5;
	[tilespmem:s28+$0x50] =	vst v9  }
0x8c: {  	v7 =	vor.u32 v1, v5;
	v15 =	vor.u32 v0, v21;
	v12 =	vor.u32 v0, v17;
	[tilespmem:s28+$0xF0] =	vst v19  }
0x8d: {  	s6 =	sor.u32 $0x2, s29;
	v5 =	vor.u32 v1, v17;
	v17 =	vmov s12;
	v9 =	vor.u32 v1, v21;
	[tilespmem:s30+$0xFFFFFF90] =	vst v18;
	v6 =	vld.idx.msk [tilespmem:v6+s5+$0x0], $0xffff  }
0x8e: {  	v19 =	vmov s6;
	v18 =	vshll.u32 v17, $0x3;
	v29 =	vld.idx.msk [tilespmem:v26+s5+$0x0], $0xffff;
	[tilespmem:s30+$0x10] =	vst v20;
	v20 =	vmov s1  }
0x8f: {  	v21 =	vmov s11;
	v23 =	vld.idx.msk [tilespmem:v28+s5+$0x0], $0xffff;
	v26 =	vshll.u32 v20, $0x3;
	[tilespmem:s30+$0xA0] =	vst v27;
	v27 =	vshll.u32 v19, $0x3  }
.Ltmp2:
0x90: {  	v28 =	vshll.u32 v21, $0x3;
	v19 =	vand.u32 $0x7E, v19;
	[tilespmem:s30+$0xFFFFFF10] =	vst v22;
	v22 =	vld.idx.msk [tilespmem:v24+s5+$0x0], $0xffff;
	v24 =	vand.u32 $0xC00, v27;
	(pc) =	sbr.rel @p3 .LBB2_3-.Ltmp2, $4  }
0x91: {  	v27 =	vand.u32 $0xC00, v18;
	v31 =	vand.u32 $0xC00, v26;
	v25 =	vld.idx.msk [tilespmem:v25+s5+$0x0], $0xffff;
	v19 =	vor.u32 v19, v24;
	[tilespmem:s28+$0xFFFFFF50] =	vst v30  }
0x92: {  	v17 =	vand.u32 $0x77, v17;
	v24 =	vand.u32 $0x7B, v20;
	v26 =	vor.u32 v0, v19;
	v18 =	vld.idx.msk [tilespmem:v10+s5+$0x0], $0xffff  }
0x93: {  	v20 =	vand.u32 $0xC00, v28;
	v10 =	vand.u32 $0x73, v21;
	v21 =	vor.u32 v17, v27;
	v17 =	vld.idx.msk [tilespmem:v8+s5+$0x0], $0xffff;
	[tilespmem:s28+$0xFFFFFFE0] =	vst v6  }
0x94: {  	s4 =	sadd.s32 $0x10, s4;
	v24 =	vor.u32 v24, v31;
	v20 =	vor.u32 v10, v20;
	v6 =	vor.u32 v0, v21;
	[tilespmem:s30+$0xFFFFFFA0] =	vst v29  }
0x95: {  	_ =	sdelay $0x3  }
0x96: {  	v8 =	vld.idx.msk [tilespmem:v16+s5+$0x0], $0xffff;
	[tilespmem:s30+$0x20] =	vst v23  }
0x97: {  	v10 =	vld.idx.msk [tilespmem:v13+s5+$0x0], $0xffff;
	[tilespmem:s30+$0xFFFFFF20] =	vst v25  }
0x98: {  	v11 =	vld.idx.msk [tilespmem:v11+s5+$0x0], $0xffff;
	_ =	sdelay $0x1  }
0x99: {  	[tilespmem:s30+$0xB0] =	vst v22  }
0x9a: {  	v13 =	vld.idx.msk [tilespmem:v26+s5+$0x0], $0xffff;
	[tilespmem:s30+$0xFFFFFFB0] =	vst v8  }
0x9b: {  	v8 =	vor.u32 v1, v19;
	v14 =	vld.idx.msk [tilespmem:v14+s5+$0x0], $0xffff;
	[tilespmem:s30+$0x30] =	vst v10  }
0x9c: {  	s1 =	sor.u32 $0x3, s29;
	v10 =	vld.idx.msk [tilespmem:v15+s5+$0x0], $0xffff;
	[tilespmem:s30+$0xFFFFFF30] =	vst v11  }
0x9d: {  	v11 =	vmov s1;
	v12 =	vld.idx.msk [tilespmem:v12+s5+$0x0], $0xffff  }
0x9e: {  	v15 =	vshll.u32 v11, $0x3  }
0x9f: {  	[tilespmem:s30+$0xC0] =	vst v13;
	v11 =	vand.u32 $0x7F, v11;
	v13 =	vand.u32 $0xC00, v15  }
0xa0: {  	v8 =	vld.idx.msk [tilespmem:v8+s5+$0x0], $0xffff;
	v11 =	vor.u32 v11, v13;
	[tilespmem:s30+$0xFFFFFFC0] =	vst v14  }
0xa1: {  	v13 =	vor.u32 v0, v11;
	v7 =	vld.idx.msk [tilespmem:v7+s5+$0x0], $0xffff;
	[tilespmem:s30+$0x40] =	vst v10  }
0xa2: {  	v9 =	vld.idx.msk [tilespmem:v9+s5+$0x0], $0xffff;
	[tilespmem:s30+$0xFFFFFF40] =	vst v12  }
0xa3: {  	v10 =	vor.u32 v0, v24;
	v5 =	vld.idx.msk [tilespmem:v5+s5+$0x0], $0xffff  }
0xa4: {  	[tilespmem:s28+$0x60] =	vst v18;
	v12 =	vor.u32 v0, v20  }
0xa5: {  	v4 =	vld.idx.msk [tilespmem:v4+s5+$0x0], $0xffff;
	[tilespmem:s30+$0xD0] =	vst v8  }
0xa6: {  	v8 =	vld.idx.msk [tilespmem:v13+s5+$0x0], $0xffff;
	[tilespmem:s31+$0xFFFFFFD0] =	vst v7  }
0xa7: {  	v7 =	vor.u32 v1, v11;
	[tilespmem:s31+$0x50] =	vst v9;
	v6 =	vld.idx.msk [tilespmem:v6+s5+$0x0], $0xffff  }
0xa8: {  	v9 =	vor.u32 v1, v21;
	[tilespmem:s31+$0xFFFFFF50] =	vst v5;
	v5 =	vld.idx.msk [tilespmem:v10+s5+$0x0], $0xffff  }
0xa9: {  	[tilespmem:s28+$0xFFFFFF60] =	vst v17;
	v10 =	vor.u32 v1, v24;
	v11 =	vld.idx.msk [tilespmem:v12+s5+$0x0], $0xffff  }
0xaa: {  	v3 =	vld.idx.msk [tilespmem:v3+s5+$0x0], $0xffff;
	[tilespmem:s28+$0xFFFFFFF0] =	vst v4;
	v12 =	vor.u32 v1, v20  }
0xab: {  	v2 =	vld.idx.msk [tilespmem:v2+s5+$0x0], $0xffff;
	[tilespmem:s31+$0xE0] =	vst v8  }
0xac: {  	v4 =	vld.idx.msk [tilespmem:v7+s5+$0x0], $0xffff;
	[tilespmem:s31+$0xFFFFFFE0] =	vst v6  }
0xad: {  	s13 =	simm.s32 $0x0;
	s2 =	simm.s32 $0xC;
	[tilespmem:s31+$0x60] =	vst v5;
	v5 =	vld.idx.msk [tilespmem:v9+s5+$0x0], $0xffff  }
0xae: {  	s4 =	simm.s32 $0x4;
	s6 =	sand.u32 $0x180, s13;
	s21 =	sand.u32 $0x7C, s2;
	[tilespmem:s31+$0xFFFFFF60] =	vst v11;
	v6 =	vld.idx.msk [tilespmem:v10+s5+$0x0], $0xffff  }
0xaf: {  	s8 =	simm.s32 $0x8;
	s4 =	sand.u32 $0x74, s4;
	s2 =	sor.u32 s6, s21;
	[tilespmem:s28+$0x70] =	vst v3;
	v3 =	vld.idx.msk [tilespmem:v12+s5+$0x0], $0xffff  }
0xb0: {  	s22 =	sand.u32 $0x78, s8;
	s21 =	simm.s32 $0x2;
	s12 =	sor.u32 $0x1, s2;
	[tilespmem:s28+$0xFFFFFF70] =	vst v2  }
0xb1: {  	s10 =	sshll.u32 s24, $0x11;
	v16 =	vmov s12;
	v19 =	vmov s21;
	s1 =	sor.u32 s6, s4;
	s4 =	sor.u32 s6, s22;
	[tilespmem:s31+$0xF0] =	vst v4  }
0xb2: {  	s23 =	sadd.s32 s10, s7;
	v22 =	vshll.u32 v19, $0x3;
	v19 =	vand.u32 $0x72, v19;
	s8 =	sor.u32 $0x1, s1;
	s10 =	sor.u32 $0x1, s4;
	v2 =	vmov s13;
	[tilespmem:s31+$0xFFFFFFF0] =	vst v5  }
0xb3: {  	s11 =	simm.s32 $0x1;
	v10 =	vmov s8;
	v11 =	vmov s10;
	v4 =	vshll.u32 v2, $0x3;
	[tilespmem:s31+$0x70] =	vst v6  }
0xb4: {  	v12 =	vmov s11;
	v2 =	vand.u32 $0x70, v2;
	v4 =	vand.u32 $0xC00, v4;
	[tilespmem:s31+$0xFFFFFF70] =	vst v3;
	s31 =	sadd.s32 s9, s26  }
0xb5: {  	v13 =	vshll.u32 v10, $0x3;
	v5 =	vmov s2;
	v2 =	vor.u32 v2, v4;
	[hbm4b:s23+s5] =	stream.linear.scatter [tilespmem:s19], [sflag:$0x2], $0x4000, $0x38;
	[tilespmem:$0x10000] =	vst v63  }
0xb6: {  	v4 =	vshll.u32 v5, $0x3;
	v6 =	vmov s4;
	v5 =	vand.u32 $0x7C, v5;
	s6 =	sshll.u32 s31, $0x9  }
0xb7: {  	v3 =	vmov s1;
	v4 =	vand.u32 $0xC00, v4;
	v8 =	vshll.u32 v6, $0x3;
	s6 =	sadd.s32 s0, s6  }
0xb8: {  	v6 =	vand.u32 $0x78, v6;
	v7 =	vshll.u32 v3, $0x3;
	v3 =	vand.u32 $0x74, v3;
	[tilespmem:s5], [sflag:$0x1] =	stream.strided.gather [hbm4b:s6+s15], $0x4000, s16, s15, $0x38;
	[tilespmem:$0x10000] =	vst v63  }
0xb9: {  	v8 =	vand.u32 $0xC00, v8;
	v4 =	vor.u32 v5, v4;
	v7 =	vand.u32 $0xC00, v7;
	_ =	swait.ge [sflag:s18], $0x4000  }
0xba: {  	v5 =	vor.u32 v6, v8;
	v6 =	vor.u32 v0, v4;
	v3 =	vor.u32 v3, v7;
	[sflag:s18] =	ssyncset.done $0x0  }
0xbb: {  	v15 =	vshll.u32 v11, $0x3;
	v10 =	vand.u32 $0x75, v10;
	s6 =	simm.s32 @!p2 $0x2;
	v7 =	vor.u32 v0, v3;
	[sflag:s18] =	ssyncadd.s32 $0xFFFFC000  }
0xbc: {  	v11 =	vand.u32 $0x79, v11;
	v14 =	vshll.u32 v12, $0x3;
	v9 =	vor.u32 v0, v2;
	_ =	swait.ge @!p2 [sflag:s6], $0x4000  }
0xbd: {  	v13 =	vand.u32 $0xC00, v13;
	v15 =	vand.u32 $0xC00, v15;
	v8 =	vor.u32 v0, v5;
	[sflag:s6] =	ssyncset.done @!p2 $0x0  }
0xbe: {  	v12 =	vand.u32 $0x71, v12;
	v14 =	vand.u32 $0xC00, v14;
	v10 =	vor.u32 v10, v13;
	[sflag:s6] =	ssyncadd.s32 @!p2 $0xFFFFC000  }
0xbf: {  	v13 =	vshll.u32 v16, $0x3;
	v11 =	vor.u32 v11, v15;
	v15 =	vand.u32 $0x7D, v16;
	v6 =	vld.idx.msk [tilespmem:v6+s17+$0x0], $0xffff  }
0xc0: {  	v13 =	vand.u32 $0xC00, v13;
	v12 =	vor.u32 v12, v14;
	v4 =	vor.u32 v1, v4;
	v7 =	vld.idx.msk [tilespmem:v7+s17+$0x0], $0xffff  }
0xc1: {  	v14 =	vor.u32 v0, v10;
	v16 =	vor.u32 v0, v11;
	v3 =	vor.u32 v1, v3;
	v9 =	vld.idx.msk [tilespmem:v9+s17+$0x0], $0xffff  }
0xc2: {  	s13 =	sor.u32 $0x2, s1;
	v18 =	vor.u32 v1, v10;
	v11 =	vor.u32 v1, v11;
	v2 =	vor.u32 v1, v2;
	v8 =	vld.idx.msk [tilespmem:v8+s17+$0x0], $0xffff  }
0xc3: {  	s8 =	simm.s32 $0x10;
	s10 =	simm.s32 $0x1C;
	v10 =	vmov s13;
	v13 =	vor.u32 v15, v13;
	s26 =	simm.s32 $0xC100;
	v5 =	vor.u32 v1, v5  }
0xc4: {  	s12 =	sand.u32 $0x180, s8;
	s13 =	sand.u32 $0x7C, s10;
	v15 =	vor.u32 v0, v12;
	v12 =	vor.u32 v1, v12;
	v20 =	vshll.u32 v10, $0x3;
	[tilespmem:s26+$0x80] =	vst v6  }
0xc5: {  	s22 =	sor.u32 $0x2, s4;
	s11 =	simm.s32 $0x14;
	v10 =	vand.u32 $0x76, v10;
	s28 =	sor.u32 s12, s13;
	v17 =	vor.u32 v0, v13;
	v20 =	vand.u32 $0xC00, v20;
	[tilespmem:s26+$0xFFFFFF80] =	vst v7;
	v4 =	vld.idx.msk [tilespmem:v4+s17+$0x0], $0xffff  }
0xc6: {  	s21 =	sand.u32 $0x74, s11;
	v13 =	vor.u32 v1, v13;
	s11 =	sor.u32 $0x1, s28;
	v10 =	vor.u32 v10, v20;
	s23 =	simm.s32 $0x3;
	v6 =	vmov s22;
	[tilespmem:s26+$0xFFFFFF00] =	vst v9;
	v3 =	vld.idx.msk [tilespmem:v3+s17+$0x0], $0xffff  }
0xc7: {  	v59 =	vmov s11;
	v23 =	vmov s23;
	[tilespmem:s26+$0x0] =	vst v8;
	v21 =	vshll.u32 v6, $0x3;
	v2 =	vld.idx.msk [tilespmem:v2+s17+$0x0], $0xffff  }
0xc8: {  	s31 =	sor.u32 $0x2, s2;
	v25 =	vshll.u32 v23, $0x3;
	v6 =	vand.u32 $0x7A, v6;
	v8 =	vld.idx.msk [tilespmem:v5+s17+$0x0], $0xffff;
	v7 =	vand.u32 $0xC00, v21  }
0xc9: {  	v9 =	vmov s31;
	v21 =	vand.u32 $0xC00, v22;
	v6 =	vor.u32 v6, v7  }
0xca: {  	s4 =	sor.u32 $0x3, s4;
	v7 =	vor.u32 v19, v21;
	v19 =	vor.u32 v0, v10;
	v21 =	vor.u32 v1, v10;
	[tilespmem:s26+$0x90] =	vst v4  }
0xcb: {  	s1 =	sor.u32 $0x3, s1;
	v10 =	vmov s4;
	v20 =	vor.u32 v0, v7;
	v5 =	vor.u32 v1, v7;
	[tilespmem:s26+$0xFFFFFF90] =	vst v3;
	v7 =	vld.idx.msk [tilespmem:v17+s17+$0x0], $0xffff  }
0xcc: {  	v22 =	vor.u32 v0, v6;
	v24 =	vshll.u32 v10, $0x3;
	v4 =	vmov s1;
	[tilespmem:s26+$0xFFFFFF10] =	vst v2;
	v14 =	vld.idx.msk [tilespmem:v14+s17+$0x0], $0xffff  }
0xcd: {  	v3 =	vshll.u32 v9, $0x3;
	v9 =	vand.u32 $0x7E, v9;
	[tilespmem:s26+$0x10] =	vst v8;
	v8 =	vand.u32 $0xC00, v24;
	v15 =	vld.idx.msk [tilespmem:v15+s17+$0x0], $0xffff  }
0xce: {  	v17 =	vor.u32 v1, v6;
	v6 =	vshll.u32 v4, $0x3;
	v3 =	vand.u32 $0xC00, v3;
	v16 =	vld.idx.msk [tilespmem:v16+s17+$0x0], $0xffff  }
0xcf: {  	v2 =	vmov s8;
	v6 =	vand.u32 $0xC00, v6;
	v9 =	vor.u32 v9, v3  }
0xd0: {  	v3 =	vand.u32 $0x77, v4;
	v4 =	vand.u32 $0x7B, v10;
	v10 =	vand.u32 $0xC00, v25;
	[tilespmem:s26+$0xA0] =	vst v7  }
0xd1: {  	v3 =	vor.u32 v3, v6;
	v24 =	vor.u32 v4, v8;
	v7 =	vand.u32 $0x73, v23;
	[tilespmem:s26+$0xFFFFFFA0] =	vst v14;
	v13 =	vld.idx.msk [tilespmem:v13+s17+$0x0], $0xffff  }
0xd2: {  	v14 =	vand.u32 $0x70, v2;
	v2 =	vshll.u32 v2, $0x3;
	[tilespmem:s26+$0xFFFFFF20] =	vst v15;
	v7 =	vor.u32 v7, v10;
	v18 =	vld.idx.msk [tilespmem:v18+s17+$0x0], $0xffff  }
0xd3: {  	v23 =	vor.u32 v0, v9;
	[tilespmem:s26+$0x20] =	vst v16;
	v16 =	vand.u32 $0xC00, v2;
	v12 =	vld.idx.msk [tilespmem:v12+s17+$0x0], $0xffff;
	v6 =	vor.u32 v0, v7  }
0xd4: {  	s22 =	simm.s32 $0x18;
	v2 =	vor.u32 v1, v7;
	v7 =	vld.idx.msk [tilespmem:v11+s17+$0x0], $0xffff;
	v11 =	vor.u32 v14, v16;
	v14 =	vmov s28  }
0xd5: {  	s31 =	sand.u32 $0x78, s22;
	v8 =	vor.u32 v0, v24;
	v4 =	vor.u32 v1, v3;
	v16 =	vshll.u32 v14, $0x3  }
0xd6: {  	s4 =	sor.u32 s12, s31;
	v10 =	vor.u32 v0, v3;
	v14 =	vand.u32 $0x7C, v14;
	v16 =	vand.u32 $0xC00, v16  }
0xd7: {  	v3 =	vor.u32 v1, v24;
	v24 =	vmov s4;
	v14 =	vor.u32 v14, v16;
	[tilespmem:s26+$0xB0] =	vst v13  }
0xd8: {  	s2 =	sor.u32 $0x3, s2;
	s23 =	sor.u32 s12, s21;
	v9 =	vor.u32 v1, v9;
	v25 =	vshll.u32 v24, $0x3;
	[tilespmem:s26+$0xFFFFFFB0] =	vst v18;
	v16 =	vor.u32 v0, v14  }
0xd9: {  	v24 =	vand.u32 $0x78, v24;
	v13 =	vmov s23;
	v18 =	vmov s2;
	[tilespmem:s26+$0xFFFFFF30] =	vst v12;
	v23 =	vld.idx.msk [tilespmem:v23+s17+$0x0], $0xffff  }
0xda: {  	v12 =	vor.u32 v0, v11;
	v15 =	vshll.u32 v13, $0x3;
	v19 =	vld.idx.msk [tilespmem:v19+s17+$0x0], $0xffff;
	[tilespmem:s26+$0x30] =	vst v7;
	v7 =	vand.u32 $0x74, v13  }
0xdb: {  	v13 =	vand.u32 $0xC00, v25;
	v25 =	vshll.u32 v18, $0x3;
	v15 =	vand.u32 $0xC00, v15;
	v22 =	vld.idx.msk [tilespmem:v22+s17+$0x0], $0xffff  }
0xdc: {  	v18 =	vand.u32 $0x7F, v18;
	v25 =	vand.u32 $0xC00, v25;
	v7 =	vor.u32 v7, v15  }
0xdd: {  	s8 =	sor.u32 $0x1, s4;
	v13 =	vor.u32 v24, v13;
	v15 =	vor.u32 v18, v25;
	v18 =	vor.u32 v0, v7;
	v16 =	vld.idx.msk [tilespmem:v16+s17+$0x0], $0xffff  }
0xde: {  	s31 =	simm.s32 $0x13;
	v26 =	vmov s8;
	v25 =	vor.u32 v1, v13;
	[tilespmem:s26+$0xC0] =	vst v23;
	v23 =	vor.u32 v0, v13;
	v13 =	vld.idx.msk [tilespmem:v20+s17+$0x0], $0xffff  }
0xdf: {  	s10 =	simm.s32 $0x11;
	v61 =	vmov s31;
	v28 =	vshll.u32 v26, $0x3;
	v14 =	vor.u32 v1, v14;
	[tilespmem:s26+$0xFFFFFFC0] =	vst v19;
	v9 =	vld.idx.msk [tilespmem:v9+s17+$0x0], $0xffff  }
0xe0: {  	s6 =	sor.u32 $0x1, s23;
	v24 =	vor.u32 v0, v15;
	v7 =	vor.u32 v1, v7;
	v12 =	vld.idx.msk [tilespmem:v12+s17+$0x0], $0xffff;
	v19 =	vmov s10;
	[tilespmem:s26+$0x40] =	vst v22  }
0xe1: {  	s29 =	simm.s32 $0xC300;
	v20 =	vor.u32 v1, v11;
	v11 =	vmov s6;
	v22 =	vshll.u32 v19, $0x3;
	v17 =	vld.idx.msk [tilespmem:v17+s17+$0x0], $0xffff  }
0xe2: {  	v27 =	vshll.u32 v11, $0x3;
	v19 =	vand.u32 $0x71, v19;
	v22 =	vand.u32 $0xC00, v22;
	v18 =	vld.idx.msk [tilespmem:v18+s17+$0x0], $0xffff;
	[tilespmem:s29+$0x80] =	vst v16  }
0xe3: {  	v15 =	vor.u32 v1, v15;
	v27 =	vand.u32 $0xC00, v27;
	v16 =	vor.u32 v19, v22;
	[tilespmem:s26+$0xFFFFFF40] =	vst v13;
	v23 =	vld.idx.msk [tilespmem:v23+s17+$0x0], $0xffff  }
0xe4: {  	s12 =	sor.u32 $0x2, s23;
	v13 =	vshll.u32 v59, $0x3;
	[tilespmem:s26+$0xD0] =	vst v9;
	v9 =	vand.u32 $0x75, v11;
	v11 =	vand.u32 $0x79, v26;
	v30 =	vld.idx.msk [tilespmem:v5+s17+$0x0], $0xffff  }
0xe5: {  	[tilespmem:s29+$0xFFFFFF00] =	vst v12;
	v26 =	vand.u32 $0xC00, v28;
	v13 =	vand.u32 $0xC00, v13;
	v5 =	vmov s12;
	v24 =	vld.idx.msk [tilespmem:v24+s17+$0x0], $0xffff  }
0xe6: {  	s1 =	sor.u32 $0x3, s23;
	v20 =	vld.idx.msk [tilespmem:v20+s17+$0x0], $0xffff;
	v9 =	vor.u32 v9, v27;
	v26 =	vor.u32 v11, v26;
	v11 =	vand.u32 $0x7D, v59  }
0xe7: {  	v14 =	vld.idx.msk [tilespmem:v14+s17+$0x0], $0xffff;
	v27 =	vor.u32 v0, v16;
	[tilespmem:s26+$0x50] =	vst v17;
	v17 =	vmov s1;
	v22 =	vor.u32 v11, v13  }
0xe8: {  	s13 =	sor.u32 $0x2, s4;
	v19 =	vor.u32 v0, v9;
	v60 =	vor.u32 v0, v26;
	[tilespmem:s29+$0xFFFFFF80] =	vst v18;
	v29 =	vor.u32 v0, v22  }
0xe9: {  	v21 =	vld.idx.msk [tilespmem:v21+s17+$0x0], $0xffff;
	v11 =	vor.u32 v1, v16;
	v16 =	vor.u32 v1, v9;
	v9 =	vmov s13;
	[tilespmem:s29+$0x0] =	vst v23  }
0xea: {  	s21 =	simm.s32 $0x12;
	v13 =	vor.u32 v1, v26;
	v22 =	vor.u32 v1, v22;
	v23 =	vshll.u32 v9, $0x3;
	v25 =	vld.idx.msk [tilespmem:v25+s17+$0x0], $0xffff;
	[tilespmem:s26+$0xE0] =	vst v24  }
0xeb: {  	v9 =	vand.u32 $0x7A, v9;
	[tilespmem:s29+$0xFFFFFF10] =	vst v20;
	v20 =	vshll.u32 v61, $0x3;
	v18 =	vld.idx.msk [tilespmem:v15+s17+$0x0], $0xffff;
	v15 =	vmov s21  }
0xec: {  	[tilespmem:s29+$0x90] =	vst v14;
	v23 =	vand.u32 $0xC00, v23;
	v20 =	vand.u32 $0xC00, v20;
	v24 =	vld.idx.msk [tilespmem:v7+s17+$0x0], $0xffff;
	v26 =	vshll.u32 v15, $0x3  }
0xed: {  	v7 =	vshll.u32 v5, $0x3;
	v5 =	vand.u32 $0x76, v5;
	v12 =	vand.u32 $0xC00, v26;
	v26 =	vld.idx.msk [tilespmem:v29+s17+$0x0], $0xffff  }
0xee: {  	[tilespmem:s26+$0xFFFFFFD0] =	vst v21;
	v9 =	vor.u32 v9, v23;
	v7 =	vand.u32 $0xC00, v7;
	v14 =	vand.u32 $0x72, v15  }
0xef: {  	v10 =	vld.idx.msk [tilespmem:v10+s17+$0x0], $0xffff;
	v5 =	vor.u32 v5, v7;
	v15 =	vor.u32 v0, v9;
	v9 =	vor.u32 v1, v9  }
0xf0: {  	s23 =	sor.u32 $0x2, s28;
	v7 =	vor.u32 v1, v5;
	v21 =	vor.u32 v14, v12;
	v14 =	vor.u32 v0, v5;
	[tilespmem:s29+$0x10] =	vst v25  }
0xf1: {  	s22 =	sor.u32 $0x3, s4;
	v25 =	vmov s23;
	v12 =	vor.u32 v0, v21;
	v5 =	vor.u32 v1, v21;
	[tilespmem:s29+$0xFFFFFF90] =	vst v24;
	v23 =	vld.idx.msk [tilespmem:v60+s17+$0x0], $0xffff  }
0xf2: {  	v21 =	vmov s22;
	v31 =	vand.u32 $0x7E, v25;
	v24 =	vld.idx.msk [tilespmem:v19+s17+$0x0], $0xffff;
	[tilespmem:s29+$0xA0] =	vst v26;
	v26 =	vshll.u32 v25, $0x3  }
0xf3: {  	v19 =	vshll.u32 v17, $0x3;
	v62 =	vshll.u32 v21, $0x3;
	v25 =	vld.idx.msk [tilespmem:v27+s17+$0x0], $0xffff;
	v26 =	vand.u32 $0xC00, v26  }
0xf4: {  	[tilespmem:s26+$0xFFFFFF50] =	vst v30;
	v17 =	vand.u32 $0x77, v17;
	v27 =	vand.u32 $0xC00, v19;
	v22 =	vld.idx.msk [tilespmem:v22+s17+$0x0], $0xffff;
	v19 =	vor.u32 v31, v26  }
0xf5: {  	[tilespmem:s26+$0xF0] =	vst v18;
	v63 =	vand.u32 $0x7B, v21;
	v18 =	vld.idx.msk [tilespmem:v8+s17+$0x0], $0xffff;
	v8 =	vand.u32 $0x73, v61;
	v26 =	vor.u32 v0, v19  }
0xf6: {  	[tilespmem:s26+$0xFFFFFFE0] =	vst v10;
	v28 =	vand.u32 $0xC00, v62;
	v20 =	vor.u32 v8, v20;
	v21 =	vor.u32 v17, v27  }
0xf7: {  	s30 =	simm.s32 $0xC300;
	s4 =	simm.s32 $0x20;
	s2 =	simm.s32 $0x4;
	v17 =	vld.idx.msk [tilespmem:v6+s17+$0x0], $0xffff;
	v6 =	vor.u32 v0, v21;
	[tilespmem:s29+$0xFFFFFFA0] =	vst v24;
	v24 =	vor.u32 v63, v28  }
.LBB2_5:
0xf8: {  	v27 =	vmov s4;
	s1 =	sadd.s32 $0x4, s4;
	s6 =	sadd.s32 $0xC, s4;
	s2 =	sadd.s32 $0x4, s2;
	v8 =	vor.u32 v0, v20;
	v16 =	vld.idx.msk [tilespmem:v16+s17+$0x0], $0xffff;
	[tilespmem:s29+$0x20] =	vst v23;
	v10 =	vor.u32 v0, v24  }
0xf9: {  	s8 =	sand.u32 $0x180, s4;
	v21 =	vor.u32 v1, v21;
	v23 =	vand.u32 $0x70, v27;
	v27 =	vshll.u32 v27, $0x3;
	s6 =	sand.u32 $0x7C, s6;
	p2 =	slt.u32 s2, $0x7C;
	v13 =	vld.idx.msk [tilespmem:v13+s17+$0x0], $0xffff;
	[tilespmem:s29+$0xB0] =	vst v22  }
0xfa: {  	s11 =	sadd.s32 $0x8, s4;
	v20 =	vor.u32 v1, v20;
	v24 =	vor.u32 v1, v24;
	s1 =	sand.u32 $0x74, s1;
	v22 =	vand.u32 $0xC00, v27;
	s21 =	sor.u32 s8, s6;
	[tilespmem:s29+$0xFFFFFF20] =	vst v25;
	v25 =	vld.idx.msk [tilespmem:v26+s17+$0x0], $0xffff  }
0xfb: {  	s10 =	sadd.s32 $0x1, s4;
	s1 =	sor.u32 s8, s1;
	s6 =	sand.u32 $0x78, s11;
	v22 =	vor.u32 v23, v22;
	v23 =	vmov s21;
	v11 =	vld.idx.msk [tilespmem:v11+s17+$0x0], $0xffff;
	[tilespmem:s26+$0x60] =	vst v18  }
0xfc: {  	v19 =	vor.u32 v1, v19;
	v18 =	vmov s1;
	s13 =	sor.u32 $0x1, s1;
	s22 =	sor.u32 $0x2, s1;
	s11 =	sor.u32 s8, s6;
	v26 =	vshll.u32 v23, $0x3;
	[tilespmem:s26+$0xFFFFFF60] =	vst v17;
	v17 =	vld.idx.msk [tilespmem:v4+s17+$0x0], $0xffff;
	v4 =	vmovc v21  }
0xfd: {  	s6 =	sadd.s32 $0x2, s4;
	v21 =	vmov s11;
	s23 =	sor.u32 $0x1, s11;
	s8 =	sor.u32 $0x2, s11;
	v23 =	vand.u32 $0x7C, v23;
	v26 =	vand.u32 $0xC00, v26;
	v27 =	vld.idx.msk [tilespmem:v3+s17+$0x0], $0xffff;
	v3 =	vmovc v24  }
0xfe: {  	s28 =	sor.u32 $0x3, s28;
	s12 =	sor.u32 $0x3, s1;
	s1 =	sor.u32 $0x3, s11;
	v24 =	vshll.u32 v18, $0x3;
	v28 =	vshll.u32 v21, $0x3;
	v23 =	vor.u32 v23, v26;
	[tilespmem:s29+$0xFFFFFFB0] =	vst v16;
	v16 =	vld.idx.msk [tilespmem:v2+s17+$0x0], $0xffff;
	v2 =	vmovc v20  }
0xff: {  	s11 =	sadd.s32 $0x3, s4;
	v20 =	vand.u32 $0xC00, v24;
	v24 =	vor.u32 v0, v23;
	v14 =	vld.idx.msk [tilespmem:v14+s17+$0x0], $0xffff;
	[tilespmem:s29+$0x30] =	vst v13;
	v13 =	vmov s28;
	s28 =	smov.u32 s21  }
0x100: {  	v18 =	vand.u32 $0x74, v18;
	v26 =	vand.u32 $0xC00, v28;
	v15 =	vld.idx.msk [tilespmem:v15+s17+$0x0], $0xffff;
	[tilespmem:s29+$0xC0] =	vst v25;
	v25 =	vshll.u32 v13, $0x3  }
0x101: {  	v21 =	vand.u32 $0x78, v21;
	v13 =	vand.u32 $0x7F, v13;
	[tilespmem:s29+$0xFFFFFF30] =	vst v11;
	v11 =	vld.idx.msk [tilespmem:v19+s17+$0x0], $0xffff;
	v19 =	vand.u32 $0xC00, v25  }
0x102: {  	v18 =	vor.u32 v18, v20;
	v20 =	vor.u32 v21, v26;
	v12 =	vld.idx.msk [tilespmem:v12+s17+$0x0], $0xffff;
	v13 =	vor.u32 v13, v19  }
0x103: {  	v21 =	vor.u32 v0, v20;
	v19 =	vor.u32 v0, v18;
	v25 =	vor.u32 v0, v13;
	[tilespmem:s26+$0xFFFFFFF0] =	vst v17  }
0x104: {  	v20 =	vor.u32 v1, v20;
	v18 =	vor.u32 v1, v18;
	v17 =	vor.u32 v0, v22;
	v24 =	vld.idx.msk [tilespmem:v24+s17+$0x0], $0xffff  }
0x105: {  	v28 =	vmov s23;
	v26 =	vmov s13;
	v22 =	vor.u32 v1, v22;
	[tilespmem:s29+$0xFFFFFFC0] =	vst v14  }
0x106: {  	v23 =	vor.u32 v1, v23;
	v29 =	vshll.u32 v26, $0x3;
	v14 =	vmov s10;
	v7 =	vld.idx.msk [tilespmem:v7+s17+$0x0], $0xffff;
	[tilespmem:s29+$0x40] =	vst v15  }
0x107: {  	v30 =	vshll.u32 v28, $0x3;
	v29 =	vand.u32 $0xC00, v29;
	v15 =	vshll.u32 v14, $0x3;
	v9 =	vld.idx.msk [tilespmem:v9+s17+$0x0], $0xffff;
	[tilespmem:s29+$0xD0] =	vst v11  }
0x108: {  	s10 =	sor.u32 $0x1, s28;
	v11 =	vand.u32 $0x75, v26;
	v26 =	vand.u32 $0x79, v28;
	v28 =	vand.u32 $0xC00, v30;
	[tilespmem:s29+$0xFFFFFF40] =	vst v12;
	v12 =	vld.idx.msk [tilespmem:v25+s17+$0x0], $0xffff  }
0x109: {  	v14 =	vand.u32 $0x71, v14;
	v15 =	vand.u32 $0xC00, v15;
	v25 =	vmov s10;
	s29 =	sadd.s32 $0x200, s29;
	v19 =	vld.idx.msk [tilespmem:v19+s17+$0x0], $0xffff;
	[tilespmem:s26+$0x70] =	vst v27  }
0x10a: {  	v27 =	vor.u32 v11, v29;
	v11 =	vshll.u32 v25, $0x3;
	v21 =	vld.idx.msk [tilespmem:v21+s17+$0x0], $0xffff;
	[tilespmem:s29+$0x80] =	vst v24;
	v24 =	vor.u32 v1, v13  }
0x10b: {  	v25 =	vand.u32 $0x7D, v25;
	v13 =	vor.u32 v26, v28;
	v11 =	vand.u32 $0xC00, v11;
	v23 =	vld.idx.msk [tilespmem:v23+s17+$0x0], $0xffff;
	[tilespmem:s26+$0xFFFFFF70] =	vst v16;
	s26 =	smov.u32 s30;
	s30 =	smov.u32 s29  }
0x10c: {  	v14 =	vor.u32 v14, v15;
	v26 =	vor.u32 v0, v27;
	v15 =	vor.u32 v25, v11;
	v17 =	vld.idx.msk [tilespmem:v17+s17+$0x0], $0xffff  }
0x10d: {  	v25 =	vor.u32 v0, v14;
	v28 =	vor.u32 v0, v13;
	v29 =	vor.u32 v0, v15;
	v30 =	vld.idx.msk [tilespmem:v5+s17+$0x0], $0xffff  }
0x10e: {  	v11 =	vor.u32 v1, v14;
	v16 =	vor.u32 v1, v27;
	v13 =	vor.u32 v1, v13;
	[tilespmem:s26+$0xE0] =	vst v12  }
0x10f: {  	v5 =	vmov s22;
	v12 =	vmov s8;
	[tilespmem:s29+$0xFFFFFF80] =	vst v19;
	v19 =	vld.idx.msk [tilespmem:v24+s17+$0x0], $0xffff  }
0x110: {  	v14 =	vmov s6;
	v24 =	vshll.u32 v5, $0x3;
	v18 =	vld.idx.msk [tilespmem:v18+s17+$0x0], $0xffff;
	[tilespmem:s29+$0x0] =	vst v21;
	v21 =	vshll.u32 v12, $0x3  }
0x111: {  	v27 =	vshll.u32 v14, $0x3;
	v24 =	vand.u32 $0xC00, v24;
	v20 =	vld.idx.msk [tilespmem:v20+s17+$0x0], $0xffff;
	v21 =	vand.u32 $0xC00, v21;
	[tilespmem:s29+$0x90] =	vst v23  }
0x112: {  	v5 =	vand.u32 $0x76, v5;
	v12 =	vand.u32 $0x7A, v12;
	[tilespmem:s29+$0xFFFFFF00] =	vst v17;
	v17 =	vand.u32 $0xC00, v27;
	v27 =	vld.idx.msk [tilespmem:v29+s17+$0x0], $0xffff  }
0x113: {  	v14 =	vand.u32 $0x72, v14;
	v5 =	vor.u32 v5, v24;
	v21 =	vor.u32 v12, v21;
	v22 =	vld.idx.msk [tilespmem:v22+s17+$0x0], $0xffff;
	[tilespmem:s26+$0xFFFFFFD0] =	vst v7  }
0x114: {  	v24 =	vor.u32 v1, v15;
	v17 =	vor.u32 v14, v17;
	v14 =	vor.u32 v0, v5;
	[tilespmem:s26+$0x50] =	vst v9  }
0x115: {  	v7 =	vor.u32 v1, v5;
	v15 =	vor.u32 v0, v21;
	v12 =	vor.u32 v0, v17;
	[tilespmem:s26+$0xF0] =	vst v19  }
0x116: {  	s6 =	sor.u32 $0x2, s28;
	v5 =	vor.u32 v1, v17;
	v17 =	vmov s12;
	v9 =	vor.u32 v1, v21;
	[tilespmem:s29+$0xFFFFFF90] =	vst v18;
	v6 =	vld.idx.msk [tilespmem:v6+s17+$0x0], $0xffff  }
0x117: {  	v19 =	vmov s6;
	v18 =	vshll.u32 v17, $0x3;
	v29 =	vld.idx.msk [tilespmem:v26+s17+$0x0], $0xffff;
	[tilespmem:s29+$0x10] =	vst v20;
	v20 =	vmov s1  }
0x118: {  	v21 =	vmov s11;
	v23 =	vld.idx.msk [tilespmem:v28+s17+$0x0], $0xffff;
	v26 =	vshll.u32 v20, $0x3;
	[tilespmem:s29+$0xA0] =	vst v27;
	v27 =	vshll.u32 v19, $0x3  }
.Ltmp3:
0x119: {  	v28 =	vshll.u32 v21, $0x3;
	v19 =	vand.u32 $0x7E, v19;
	[tilespmem:s29+$0xFFFFFF10] =	vst v22;
	v22 =	vld.idx.msk [tilespmem:v24+s17+$0x0], $0xffff;
	v24 =	vand.u32 $0xC00, v27;
	(pc) =	sbr.rel @p2 .LBB2_5-.Ltmp3, $4  }
0x11a: {  	v27 =	vand.u32 $0xC00, v18;
	v31 =	vand.u32 $0xC00, v26;
	v25 =	vld.idx.msk [tilespmem:v25+s17+$0x0], $0xffff;
	v19 =	vor.u32 v19, v24;
	[tilespmem:s26+$0xFFFFFF50] =	vst v30  }
0x11b: {  	v17 =	vand.u32 $0x77, v17;
	v24 =	vand.u32 $0x7B, v20;
	v26 =	vor.u32 v0, v19;
	v18 =	vld.idx.msk [tilespmem:v10+s17+$0x0], $0xffff  }
0x11c: {  	v20 =	vand.u32 $0xC00, v28;
	v10 =	vand.u32 $0x73, v21;
	v21 =	vor.u32 v17, v27;
	v17 =	vld.idx.msk [tilespmem:v8+s17+$0x0], $0xffff;
	[tilespmem:s26+$0xFFFFFFE0] =	vst v6  }
0x11d: {  	s4 =	sadd.s32 $0x10, s4;
	v24 =	vor.u32 v24, v31;
	v20 =	vor.u32 v10, v20;
	v6 =	vor.u32 v0, v21;
	[tilespmem:s29+$0xFFFFFFA0] =	vst v29  }
0x11e: {  	_ =	sdelay $0x3  }
0x11f: {  	v8 =	vld.idx.msk [tilespmem:v16+s17+$0x0], $0xffff;
	[tilespmem:s29+$0x20] =	vst v23  }
0x120: {  	v10 =	vld.idx.msk [tilespmem:v13+s17+$0x0], $0xffff;
	[tilespmem:s29+$0xFFFFFF20] =	vst v25  }
0x121: {  	v11 =	vld.idx.msk [tilespmem:v11+s17+$0x0], $0xffff;
	_ =	sdelay $0x1  }
0x122: {  	[tilespmem:s29+$0xB0] =	vst v22  }
0x123: {  	v48 =	vld.idx.msk [tilespmem:v26+s17+$0x0], $0xffff;
	[tilespmem:s29+$0xFFFFFFB0] =	vst v8  }
0x124: {  	v49 =	vor.u32 v1, v19;
	v14 =	vld.idx.msk [tilespmem:v14+s17+$0x0], $0xffff;
	[tilespmem:s29+$0x30] =	vst v10  }
0x125: {  	s1 =	sor.u32 $0x3, s28;
	v10 =	vld.idx.msk [tilespmem:v15+s17+$0x0], $0xffff;
	[tilespmem:s29+$0xFFFFFF30] =	vst v11  }
0x126: {  	v50 =	vmov s1;
	v12 =	vld.idx.msk [tilespmem:v12+s17+$0x0], $0xffff  }
0x127: {  	v51 =	vshll.u32 v50, $0x3  }
0x128: {  	v52 =	vand.u32 $0xC00, v51;
	[tilespmem:s29+$0xC0] =	vst v48;
	v11 =	vand.u32 $0x7F, v50  }
0x129: {  	v8 =	vld.idx.msk [tilespmem:v49+s17+$0x0], $0xffff;
	v11 =	vor.u32 v11, v52;
	[tilespmem:s29+$0xFFFFFFC0] =	vst v14  }
0x12a: {  	v13 =	vor.u32 v0, v11;
	v7 =	vld.idx.msk [tilespmem:v7+s17+$0x0], $0xffff;
	[tilespmem:s29+$0x40] =	vst v10  }
0x12b: {  	v9 =	vld.idx.msk [tilespmem:v9+s17+$0x0], $0xffff;
	[tilespmem:s29+$0xFFFFFF40] =	vst v12  }
0x12c: {  	v53 =	vor.u32 v0, v24;
	v5 =	vld.idx.msk [tilespmem:v5+s17+$0x0], $0xffff  }
0x12d: {  	v54 =	vor.u32 v0, v20;
	[tilespmem:s26+$0x60] =	vst v18  }
0x12e: {  	v4 =	vld.idx.msk [tilespmem:v4+s17+$0x0], $0xffff;
	[tilespmem:s29+$0xD0] =	vst v8  }
0x12f: {  	v8 =	vld.idx.msk [tilespmem:v13+s17+$0x0], $0xffff;
	[tilespmem:s30+$0xFFFFFFD0] =	vst v7  }
0x130: {  	v55 =	vor.u32 v1, v11;
	[tilespmem:s30+$0x50] =	vst v9;
	v6 =	vld.idx.msk [tilespmem:v6+s17+$0x0], $0xffff  }
0x131: {  	v56 =	vor.u32 v1, v21;
	[tilespmem:s30+$0xFFFFFF50] =	vst v5;
	v57 =	vld.idx.msk [tilespmem:v53+s17+$0x0], $0xffff  }
0x132: {  	v58 =	vor.u32 v1, v24;
	[tilespmem:s26+$0xFFFFFF60] =	vst v17;
	v59 =	vld.idx.msk [tilespmem:v54+s17+$0x0], $0xffff  }
0x133: {  	v60 =	vor.u32 v1, v20;
	v3 =	vld.idx.msk [tilespmem:v3+s17+$0x0], $0xffff;
	[tilespmem:s26+$0xFFFFFFF0] =	vst v4  }
0x134: {  	v2 =	vld.idx.msk [tilespmem:v2+s17+$0x0], $0xffff;
	[tilespmem:s30+$0xE0] =	vst v8  }
0x135: {  	v61 =	vld.idx.msk [tilespmem:v55+s17+$0x0], $0xffff;
	[tilespmem:s30+$0xFFFFFFE0] =	vst v6  }
0x136: {  	[tilespmem:s30+$0x60] =	vst v57;
	v62 =	vld.idx.msk [tilespmem:v56+s17+$0x0], $0xffff  }
0x137: {  	[tilespmem:s30+$0xFFFFFF60] =	vst v59;
	v63 =	vld.idx.msk [tilespmem:v58+s17+$0x0], $0xffff  }
0x138: {  	s24 =	sadd.s32 $0x1, s24;
	[tilespmem:s26+$0x70] =	vst v3;
	v3 =	vld.idx.msk [tilespmem:v60+s17+$0x0], $0xffff  }
0x139: {  	p2 =	sne.s32 s24, $0x1E;
	[tilespmem:s26+$0xFFFFFF70] =	vst v2  }
.Ltmp4:
0x13a: {  	[tilespmem:s30+$0xF0] =	vst v61;
	(pc) =	sbr.rel @p2 .LBB2_2-.Ltmp4, $4  }
0x13b: {  	[tilespmem:s30+$0xFFFFFFF0] =	vst v62  }
0x13c: {  	s31 =	sshll.u32 s25, $0xB;
	[tilespmem:s30+$0x70] =	vst v63  }
0x13d: {  	s1 =	sadd.s32 s3, s31;
	[tilespmem:s30+$0xFFFFFF70] =	vst v3  }
0x13e: {  	[hbm4b:s1+s5] =	stream.linear.scatter [tilespmem:s20], [sflag:$0x2], $0x4000, $0x38;
	[tilespmem:$0x10000] =	vst v63  }
0x13f: {  	s1 =	simm.s32 $0x0  }
0x140: {  	s10 =	simm.s32 $0x1;
	s30 =	simm.s32 $0x2;
	s11 =	simm.s32 $0x3;
	v2 =	vmov s1  }
0x141: {  	s2 =	simm.s32 $0xC;
	s4 =	simm.s32 $0x4;
	v12 =	vmov s10;
	v19 =	vmov s30;
	v23 =	vmov s11  }
0x142: {  	s8 =	simm.s32 $0x8;
	s6 =	sand.u32 $0x180, s1;
	s13 =	sand.u32 $0x7C, s2;
	v3 =	vshll.u32 v2, $0x3;
	v2 =	vand.u32 $0x70, v2;
	v14 =	vshll.u32 v12, $0x3  }
0x143: {  	s4 =	sand.u32 $0x74, s4;
	s22 =	sand.u32 $0x78, s8;
	s2 =	sor.u32 s6, s13;
	v12 =	vand.u32 $0x71, v12;
	v22 =	vshll.u32 v19, $0x3;
	v19 =	vand.u32 $0x72, v19  }
0x144: {  	s21 =	sor.u32 s6, s4;
	s4 =	sor.u32 s6, s22;
	v25 =	vshll.u32 v23, $0x3;
	v3 =	vand.u32 $0xC00, v3;
	v4 =	vmov s2  }
0x145: {  	v6 =	vmov s4;
	v14 =	vand.u32 $0xC00, v14;
	v2 =	vor.u32 v2, v3  }
0x146: {  	s23 =	sor.u32 $0x1, s21;
	v3 =	vmov s21;
	v5 =	vshll.u32 v4, $0x3;
	v4 =	vand.u32 $0x7C, v4  }
0x147: {  	v8 =	vshll.u32 v6, $0x3;
	v6 =	vand.u32 $0x78, v6;
	v10 =	vmov s23  }
0x148: {  	_ =	swait.ge [sflag:s18], $0x4000;
	v7 =	vshll.u32 v3, $0x3;
	v5 =	vand.u32 $0xC00, v5;
	v3 =	vand.u32 $0x74, v3  }
0x149: {  	[sflag:s18] =	ssyncset.done $0x0;
	v8 =	vand.u32 $0xC00, v8;
	v9 =	vor.u32 v0, v2;
	v4 =	vor.u32 v4, v5  }
0x14a: {  	s29 =	simm.s32 $0x2;
	[sflag:s18] =	ssyncadd.s32 $0xFFFFC000;
	s24 =	sor.u32 $0x1, s4;
	v7 =	vand.u32 $0xC00, v7;
	v5 =	vor.u32 v6, v8;
	v6 =	vor.u32 v0, v4  }
0x14b: {  	_ =	swait.ge [sflag:s29], $0x4000;
	s25 =	sor.u32 $0x1, s2;
	v11 =	vmov s24;
	v3 =	vor.u32 v3, v7;
	v8 =	vor.u32 v0, v5  }
0x14c: {  	[sflag:s29] =	ssyncset.done $0x0;
	v16 =	vmov s25;
	v12 =	vor.u32 v12, v14;
	v7 =	vor.u32 v0, v3  }
0x14d: {  	v2 =	vor.u32 v1, v2;
	v13 =	vshll.u32 v10, $0x3;
	v15 =	vshll.u32 v11, $0x3;
	[sflag:s29] =	ssyncadd.s32 $0xFFFFC000  }
0x14e: {  	v10 =	vand.u32 $0x75, v10;
	v11 =	vand.u32 $0x79, v11;
	v13 =	vand.u32 $0xC00, v13;
	v9 =	vld.idx.msk [tilespmem:v9+s5+$0x0], $0xffff  }
0x14f: {  	v15 =	vand.u32 $0xC00, v15;
	v5 =	vor.u32 v1, v5;
	v4 =	vor.u32 v1, v4;
	v6 =	vld.idx.msk [tilespmem:v6+s5+$0x0], $0xffff  }
0x150: {  	v10 =	vor.u32 v10, v13;
	v13 =	vshll.u32 v16, $0x3;
	v11 =	vor.u32 v11, v15;
	v8 =	vld.idx.msk [tilespmem:v8+s5+$0x0], $0xffff  }
0x151: {  	v15 =	vand.u32 $0x7D, v16;
	v3 =	vor.u32 v1, v3;
	v13 =	vand.u32 $0xC00, v13;
	v7 =	vld.idx.msk [tilespmem:v7+s5+$0x0], $0xffff  }
0x152: {  	s26 =	sor.u32 $0x2, s21;
	s24 =	simm.s32 $0x8100;
	v14 =	vor.u32 v0, v10;
	v16 =	vor.u32 v0, v11;
	v18 =	vor.u32 v1, v10  }
0x153: {  	v10 =	vmov s26;
	v13 =	vor.u32 v15, v13;
	v15 =	vor.u32 v0, v12;
	[tilespmem:s24+$0xFFFFFF00] =	vst v9  }
0x154: {  	s31 =	sor.u32 $0x2, s4;
	v12 =	vor.u32 v1, v12;
	v20 =	vshll.u32 v10, $0x3;
	v10 =	vand.u32 $0x76, v10;
	v2 =	vld.idx.msk [tilespmem:v2+s5+$0x0], $0xffff;
	[tilespmem:s24+$0x80] =	vst v6  }
0x155: {  	v17 =	vor.u32 v0, v13;
	v20 =	vand.u32 $0xC00, v20;
	v6 =	vmov s31;
	[tilespmem:s24+$0x0] =	vst v8;
	v4 =	vld.idx.msk [tilespmem:v4+s5+$0x0], $0xffff  }
0x156: {  	v13 =	vor.u32 v1, v13;
	v10 =	vor.u32 v10, v20;
	v21 =	vshll.u32 v6, $0x3;
	[tilespmem:s24+$0xFFFFFF80] =	vst v7;
	v8 =	vld.idx.msk [tilespmem:v5+s5+$0x0], $0xffff  }
0x157: {  	s12 =	sor.u32 $0x2, s2;
	v6 =	vand.u32 $0x7A, v6;
	v7 =	vand.u32 $0xC00, v21;
	v21 =	vand.u32 $0xC00, v22;
	v3 =	vld.idx.msk [tilespmem:v3+s5+$0x0], $0xffff  }
0x158: {  	s4 =	sor.u32 $0x3, s4;
	v9 =	vmov s12;
	v6 =	vor.u32 v6, v7;
	v7 =	vor.u32 v19, v21  }
0x159: {  	v19 =	vor.u32 v0, v10;
	v21 =	vor.u32 v1, v10;
	v10 =	vmov s4;
	[tilespmem:s24+$0xFFFFFF10] =	vst v2  }
0x15a: {  	s1 =	sor.u32 $0x3, s21;
	v20 =	vor.u32 v0, v7;
	v22 =	vor.u32 v0, v6;
	v24 =	vshll.u32 v10, $0x3;
	[tilespmem:s24+$0x90] =	vst v4  }
0x15b: {  	v5 =	vor.u32 v1, v7;
	v15 =	vld.idx.msk [tilespmem:v15+s5+$0x0], $0xffff;
	v4 =	vmov s1;
	[tilespmem:s24+$0x10] =	vst v8;
	v8 =	vand.u32 $0xC00, v24  }
0x15c: {  	v7 =	vld.idx.msk [tilespmem:v17+s5+$0x0], $0xffff;
	v17 =	vor.u32 v1, v6;
	v6 =	vshll.u32 v4, $0x3;
	[tilespmem:s24+$0xFFFFFF90] =	vst v3;
	v3 =	vshll.u32 v9, $0x3  }
0x15d: {  	v9 =	vand.u32 $0x7E, v9;
	v14 =	vld.idx.msk [tilespmem:v14+s5+$0x0], $0xffff;
	v3 =	vand.u32 $0xC00, v3;
	v6 =	vand.u32 $0xC00, v6  }
0x15e: {  	v16 =	vld.idx.msk [tilespmem:v16+s5+$0x0], $0xffff;
	v9 =	vor.u32 v9, v3;
	v3 =	vand.u32 $0x77, v4;
	v4 =	vand.u32 $0x7B, v10  }
0x15f: {  	v11 =	vor.u32 v1, v11;
	v3 =	vor.u32 v3, v6;
	v24 =	vor.u32 v4, v8  }
0x160: {  	v10 =	vand.u32 $0xC00, v25;
	[tilespmem:s24+$0xFFFFFF20] =	vst v15;
	v8 =	vor.u32 v0, v24;
	v4 =	vor.u32 v1, v3  }
0x161: {  	s13 =	simm.s32 $0x10;
	v12 =	vld.idx.msk [tilespmem:v12+s5+$0x0], $0xffff;
	[tilespmem:s24+$0xA0] =	vst v7;
	v7 =	vand.u32 $0x73, v23;
	v23 =	vor.u32 v0, v9;
	v9 =	vor.u32 v1, v9  }
0x162: {  	s30 =	simm.s32 $0x18;
	s21 =	simm.s32 $0x1C;
	v2 =	vmov s13;
	v13 =	vld.idx.msk [tilespmem:v13+s5+$0x0], $0xffff;
	v7 =	vor.u32 v7, v10;
	v10 =	vor.u32 v0, v3;
	[tilespmem:s24+$0xFFFFFFA0] =	vst v14  }
0x163: {  	s6 =	sand.u32 $0x78, s30;
	s23 =	sand.u32 $0x180, s13;
	s25 =	sand.u32 $0x7C, s21;
	[tilespmem:s24+$0x20] =	vst v16;
	v14 =	vand.u32 $0x70, v2;
	v2 =	vshll.u32 v2, $0x3;
	v3 =	vor.u32 v1, v24;
	v18 =	vld.idx.msk [tilespmem:v18+s5+$0x0], $0xffff  }
0x164: {  	s22 =	simm.s32 $0x14;
	s25 =	sor.u32 s23, s25;
	s4 =	sor.u32 s23, s6;
	v6 =	vor.u32 v0, v7;
	v16 =	vand.u32 $0xC00, v2;
	v2 =	vor.u32 v1, v7;
	v7 =	vld.idx.msk [tilespmem:v11+s5+$0x0], $0xffff  }
0x165: {  	s26 =	sand.u32 $0x74, s22;
	v24 =	vmov s4;
	v11 =	vor.u32 v14, v16;
	v14 =	vmov s25  }
0x166: {  	s31 =	sor.u32 s23, s26;
	v25 =	vshll.u32 v24, $0x3;
	v24 =	vand.u32 $0x78, v24;
	v16 =	vshll.u32 v14, $0x3;
	[tilespmem:s24+$0xFFFFFF30] =	vst v12  }
0x167: {  	v14 =	vand.u32 $0x7C, v14;
	v16 =	vand.u32 $0xC00, v16;
	[tilespmem:s24+$0xB0] =	vst v13;
	v13 =	vmov s31  }
0x168: {  	s2 =	sor.u32 $0x3, s2;
	v12 =	vor.u32 v0, v11;
	v14 =	vor.u32 v14, v16;
	v23 =	vld.idx.msk [tilespmem:v23+s5+$0x0], $0xffff;
	v15 =	vshll.u32 v13, $0x3;
	[tilespmem:s24+$0xFFFFFFB0] =	vst v18  }
0x169: {  	v16 =	vor.u32 v0, v14;
	v18 =	vmov s2;
	[tilespmem:s24+$0x30] =	vst v7;
	v7 =	vand.u32 $0x74, v13  }
0x16a: {  	v13 =	vand.u32 $0xC00, v25;
	v15 =	vand.u32 $0xC00, v15;
	v25 =	vshll.u32 v18, $0x3  }
0x16b: {  	v22 =	vld.idx.msk [tilespmem:v22+s5+$0x0], $0xffff;
	v18 =	vand.u32 $0x7F, v18;
	v25 =	vand.u32 $0xC00, v25;
	v7 =	vor.u32 v7, v15  }
0x16c: {  	v19 =	vld.idx.msk [tilespmem:v19+s5+$0x0], $0xffff;
	v13 =	vor.u32 v24, v13;
	v15 =	vor.u32 v18, v25;
	v18 =	vor.u32 v0, v7  }
0x16d: {  	s12 =	sor.u32 $0x1, s25;
	s8 =	sor.u32 $0x1, s31;
	s10 =	sor.u32 $0x1, s4;
	v25 =	vor.u32 v1, v13;
	[tilespmem:s24+$0xC0] =	vst v23;
	v23 =	vor.u32 v0, v13;
	v13 =	vld.idx.msk [tilespmem:v20+s5+$0x0], $0xffff  }
0x16e: {  	v59 =	vmov s12;
	s13 =	sor.u32 $0x2, s31;
	v26 =	vmov s10;
	s1 =	sor.u32 $0x3, s31;
	s31 =	simm.s32 $0x13;
	v16 =	vld.idx.msk [tilespmem:v16+s5+$0x0], $0xffff  }
0x16f: {  	v28 =	vshll.u32 v26, $0x3;
	v14 =	vor.u32 v1, v14;
	v61 =	vmov s31;
	v9 =	vld.idx.msk [tilespmem:v9+s5+$0x0], $0xffff  }
0x170: {  	s11 =	simm.s32 $0x11;
	v12 =	vld.idx.msk [tilespmem:v12+s5+$0x0], $0xffff;
	v24 =	vor.u32 v0, v15;
	v20 =	vor.u32 v1, v11;
	v11 =	vmov s8;
	[tilespmem:s24+$0x40] =	vst v22  }
0x171: {  	v7 =	vor.u32 v1, v7;
	[tilespmem:s24+$0xFFFFFFC0] =	vst v19;
	v19 =	vmov s11;
	v27 =	vshll.u32 v11, $0x3;
	v17 =	vld.idx.msk [tilespmem:v17+s5+$0x0], $0xffff  }
0x172: {  	s26 =	simm.s32 $0x8300;
	v15 =	vor.u32 v1, v15;
	v22 =	vshll.u32 v19, $0x3;
	v27 =	vand.u32 $0xC00, v27;
	v18 =	vld.idx.msk [tilespmem:v18+s5+$0x0], $0xffff;
	[tilespmem:s24+$0xFFFFFF40] =	vst v13  }
0x173: {  	v19 =	vand.u32 $0x71, v19;
	v22 =	vand.u32 $0xC00, v22;
	v13 =	vshll.u32 v59, $0x3;
	v23 =	vld.idx.msk [tilespmem:v23+s5+$0x0], $0xffff;
	[tilespmem:s26+$0x80] =	vst v16  }
0x174: {  	v16 =	vor.u32 v19, v22;
	[tilespmem:s24+$0xD0] =	vst v9;
	v9 =	vand.u32 $0x75, v11;
	v11 =	vand.u32 $0x79, v26;
	v30 =	vld.idx.msk [tilespmem:v5+s5+$0x0], $0xffff  }
0x175: {  	[tilespmem:s26+$0xFFFFFF00] =	vst v12;
	v26 =	vand.u32 $0xC00, v28;
	v13 =	vand.u32 $0xC00, v13;
	v5 =	vmov s13;
	v24 =	vld.idx.msk [tilespmem:v24+s5+$0x0], $0xffff  }
0x176: {  	v20 =	vld.idx.msk [tilespmem:v20+s5+$0x0], $0xffff;
	v9 =	vor.u32 v9, v27;
	v26 =	vor.u32 v11, v26;
	v11 =	vand.u32 $0x7D, v59  }
0x177: {  	v14 =	vld.idx.msk [tilespmem:v14+s5+$0x0], $0xffff;
	v27 =	vor.u32 v0, v16;
	[tilespmem:s24+$0x50] =	vst v17;
	v17 =	vmov s1;
	v22 =	vor.u32 v11, v13  }
0x178: {  	s21 =	sor.u32 $0x2, s4;
	v19 =	vor.u32 v0, v9;
	v60 =	vor.u32 v0, v26;
	[tilespmem:s26+$0xFFFFFF80] =	vst v18;
	v29 =	vor.u32 v0, v22  }
0x179: {  	v21 =	vld.idx.msk [tilespmem:v21+s5+$0x0], $0xffff;
	v11 =	vor.u32 v1, v16;
	v16 =	vor.u32 v1, v9;
	v9 =	vmov s21;
	[tilespmem:s26+$0x0] =	vst v23  }
0x17a: {  	s22 =	simm.s32 $0x12;
	v13 =	vor.u32 v1, v26;
	v22 =	vor.u32 v1, v22;
	v23 =	vshll.u32 v9, $0x3;
	v25 =	vld.idx.msk [tilespmem:v25+s5+$0x0], $0xffff;
	[tilespmem:s24+$0xE0] =	vst v24  }
0x17b: {  	v9 =	vand.u32 $0x7A, v9;
	[tilespmem:s26+$0xFFFFFF10] =	vst v20;
	v20 =	vshll.u32 v61, $0x3;
	v18 =	vld.idx.msk [tilespmem:v15+s5+$0x0], $0xffff;
	v15 =	vmov s22  }
0x17c: {  	v23 =	vand.u32 $0xC00, v23;
	[tilespmem:s26+$0x90] =	vst v14;
	v20 =	vand.u32 $0xC00, v20;
	v24 =	vld.idx.msk [tilespmem:v7+s5+$0x0], $0xffff;
	v26 =	vshll.u32 v15, $0x3  }
0x17d: {  	v7 =	vshll.u32 v5, $0x3;
	v5 =	vand.u32 $0x76, v5;
	v12 =	vand.u32 $0xC00, v26;
	v26 =	vld.idx.msk [tilespmem:v29+s5+$0x0], $0xffff  }
0x17e: {  	[tilespmem:s24+$0xFFFFFFD0] =	vst v21;
	v9 =	vor.u32 v9, v23;
	v7 =	vand.u32 $0xC00, v7;
	v14 =	vand.u32 $0x72, v15  }
0x17f: {  	v10 =	vld.idx.msk [tilespmem:v10+s5+$0x0], $0xffff;
	v5 =	vor.u32 v5, v7;
	v15 =	vor.u32 v0, v9;
	v9 =	vor.u32 v1, v9  }
0x180: {  	s30 =	sor.u32 $0x2, s25;
	v7 =	vor.u32 v1, v5;
	v21 =	vor.u32 v14, v12;
	v14 =	vor.u32 v0, v5;
	[tilespmem:s26+$0x10] =	vst v25  }
0x181: {  	s23 =	sor.u32 $0x3, s4;
	v25 =	vmov s30;
	v12 =	vor.u32 v0, v21;
	v5 =	vor.u32 v1, v21;
	[tilespmem:s26+$0xFFFFFF90] =	vst v24;
	v23 =	vld.idx.msk [tilespmem:v60+s5+$0x0], $0xffff  }
0x182: {  	v21 =	vmov s23;
	v31 =	vand.u32 $0x7E, v25;
	v24 =	vld.idx.msk [tilespmem:v19+s5+$0x0], $0xffff;
	[tilespmem:s26+$0xA0] =	vst v26;
	v26 =	vshll.u32 v25, $0x3  }
0x183: {  	v19 =	vshll.u32 v17, $0x3;
	v62 =	vshll.u32 v21, $0x3;
	v25 =	vld.idx.msk [tilespmem:v27+s5+$0x0], $0xffff;
	v26 =	vand.u32 $0xC00, v26  }
0x184: {  	[tilespmem:s24+$0xFFFFFF50] =	vst v30;
	v17 =	vand.u32 $0x77, v17;
	v27 =	vand.u32 $0xC00, v19;
	v22 =	vld.idx.msk [tilespmem:v22+s5+$0x0], $0xffff;
	v19 =	vor.u32 v31, v26  }
0x185: {  	[tilespmem:s24+$0xF0] =	vst v18;
	v63 =	vand.u32 $0x7B, v21;
	v18 =	vld.idx.msk [tilespmem:v8+s5+$0x0], $0xffff;
	v8 =	vand.u32 $0x73, v61;
	v26 =	vor.u32 v0, v19  }
0x186: {  	[tilespmem:s24+$0xFFFFFFE0] =	vst v10;
	v28 =	vand.u32 $0xC00, v62;
	v20 =	vor.u32 v8, v20;
	v21 =	vor.u32 v17, v27  }
0x187: {  	s28 =	simm.s32 $0x8300;
	s4 =	simm.s32 $0x20;
	s2 =	simm.s32 $0x4;
	v17 =	vld.idx.msk [tilespmem:v6+s5+$0x0], $0xffff;
	v6 =	vor.u32 v0, v21;
	[tilespmem:s26+$0xFFFFFFA0] =	vst v24;
	v24 =	vor.u32 v63, v28  }
.LBB2_8:
0x188: {  	v27 =	vmov s4;
	s1 =	sadd.s32 $0x4, s4;
	s6 =	sadd.s32 $0xC, s4;
	s2 =	sadd.s32 $0x4, s2;
	v8 =	vor.u32 v0, v20;
	v16 =	vld.idx.msk [tilespmem:v16+s5+$0x0], $0xffff;
	[tilespmem:s26+$0x20] =	vst v23;
	v10 =	vor.u32 v0, v24  }
0x189: {  	s8 =	sand.u32 $0x180, s4;
	v21 =	vor.u32 v1, v21;
	v23 =	vand.u32 $0x70, v27;
	v27 =	vshll.u32 v27, $0x3;
	s6 =	sand.u32 $0x7C, s6;
	p2 =	slt.u32 s2, $0x7C;
	v13 =	vld.idx.msk [tilespmem:v13+s5+$0x0], $0xffff;
	[tilespmem:s26+$0xB0] =	vst v22  }
0x18a: {  	s11 =	sadd.s32 $0x8, s4;
	v20 =	vor.u32 v1, v20;
	v24 =	vor.u32 v1, v24;
	s1 =	sand.u32 $0x74, s1;
	v22 =	vand.u32 $0xC00, v27;
	s21 =	sor.u32 s8, s6;
	[tilespmem:s26+$0xFFFFFF20] =	vst v25;
	v25 =	vld.idx.msk [tilespmem:v26+s5+$0x0], $0xffff  }
0x18b: {  	s10 =	sadd.s32 $0x1, s4;
	s1 =	sor.u32 s8, s1;
	s6 =	sand.u32 $0x78, s11;
	v22 =	vor.u32 v23, v22;
	v23 =	vmov s21;
	v11 =	vld.idx.msk [tilespmem:v11+s5+$0x0], $0xffff;
	[tilespmem:s24+$0x60] =	vst v18  }
0x18c: {  	v19 =	vor.u32 v1, v19;
	v18 =	vmov s1;
	s13 =	sor.u32 $0x1, s1;
	s22 =	sor.u32 $0x2, s1;
	s11 =	sor.u32 s8, s6;
	v26 =	vshll.u32 v23, $0x3;
	[tilespmem:s24+$0xFFFFFF60] =	vst v17;
	v17 =	vld.idx.msk [tilespmem:v4+s5+$0x0], $0xffff;
	v4 =	vmovc v21  }
0x18d: {  	s6 =	sadd.s32 $0x2, s4;
	v21 =	vmov s11;
	s23 =	sor.u32 $0x1, s11;
	s8 =	sor.u32 $0x2, s11;
	v23 =	vand.u32 $0x7C, v23;
	v26 =	vand.u32 $0xC00, v26;
	v27 =	vld.idx.msk [tilespmem:v3+s5+$0x0], $0xffff;
	v3 =	vmovc v24  }
0x18e: {  	s25 =	sor.u32 $0x3, s25;
	s12 =	sor.u32 $0x3, s1;
	s1 =	sor.u32 $0x3, s11;
	v24 =	vshll.u32 v18, $0x3;
	v28 =	vshll.u32 v21, $0x3;
	v23 =	vor.u32 v23, v26;
	[tilespmem:s26+$0xFFFFFFB0] =	vst v16;
	v16 =	vld.idx.msk [tilespmem:v2+s5+$0x0], $0xffff;
	v2 =	vmovc v20  }
0x18f: {  	s11 =	sadd.s32 $0x3, s4;
	v20 =	vand.u32 $0xC00, v24;
	v24 =	vor.u32 v0, v23;
	v14 =	vld.idx.msk [tilespmem:v14+s5+$0x0], $0xffff;
	[tilespmem:s26+$0x30] =	vst v13;
	v13 =	vmov s25;
	s25 =	smov.u32 s21  }
0x190: {  	v18 =	vand.u32 $0x74, v18;
	v26 =	vand.u32 $0xC00, v28;
	v15 =	vld.idx.msk [tilespmem:v15+s5+$0x0], $0xffff;
	[tilespmem:s26+$0xC0] =	vst v25;
	v25 =	vshll.u32 v13, $0x3  }
0x191: {  	v21 =	vand.u32 $0x78, v21;
	v13 =	vand.u32 $0x7F, v13;
	[tilespmem:s26+$0xFFFFFF30] =	vst v11;
	v11 =	vld.idx.msk [tilespmem:v19+s5+$0x0], $0xffff;
	v19 =	vand.u32 $0xC00, v25  }
0x192: {  	v18 =	vor.u32 v18, v20;
	v20 =	vor.u32 v21, v26;
	v12 =	vld.idx.msk [tilespmem:v12+s5+$0x0], $0xffff;
	v13 =	vor.u32 v13, v19  }
0x193: {  	v21 =	vor.u32 v0, v20;
	v19 =	vor.u32 v0, v18;
	v25 =	vor.u32 v0, v13;
	[tilespmem:s24+$0xFFFFFFF0] =	vst v17  }
0x194: {  	v20 =	vor.u32 v1, v20;
	v18 =	vor.u32 v1, v18;
	v17 =	vor.u32 v0, v22;
	v24 =	vld.idx.msk [tilespmem:v24+s5+$0x0], $0xffff  }
0x195: {  	v28 =	vmov s23;
	v26 =	vmov s13;
	v22 =	vor.u32 v1, v22;
	[tilespmem:s26+$0xFFFFFFC0] =	vst v14  }
0x196: {  	v23 =	vor.u32 v1, v23;
	v29 =	vshll.u32 v26, $0x3;
	v14 =	vmov s10;
	v7 =	vld.idx.msk [tilespmem:v7+s5+$0x0], $0xffff;
	[tilespmem:s26+$0x40] =	vst v15  }
0x197: {  	v30 =	vshll.u32 v28, $0x3;
	v29 =	vand.u32 $0xC00, v29;
	v15 =	vshll.u32 v14, $0x3;
	v9 =	vld.idx.msk [tilespmem:v9+s5+$0x0], $0xffff;
	[tilespmem:s26+$0xD0] =	vst v11  }
0x198: {  	s10 =	sor.u32 $0x1, s25;
	v11 =	vand.u32 $0x75, v26;
	v26 =	vand.u32 $0x79, v28;
	v28 =	vand.u32 $0xC00, v30;
	[tilespmem:s26+$0xFFFFFF40] =	vst v12;
	v12 =	vld.idx.msk [tilespmem:v25+s5+$0x0], $0xffff  }
0x199: {  	v14 =	vand.u32 $0x71, v14;
	v15 =	vand.u32 $0xC00, v15;
	v25 =	vmov s10;
	s26 =	sadd.s32 $0x200, s26;
	v19 =	vld.idx.msk [tilespmem:v19+s5+$0x0], $0xffff;
	[tilespmem:s24+$0x70] =	vst v27  }
0x19a: {  	v27 =	vor.u32 v11, v29;
	v11 =	vshll.u32 v25, $0x3;
	v21 =	vld.idx.msk [tilespmem:v21+s5+$0x0], $0xffff;
	[tilespmem:s26+$0x80] =	vst v24;
	v24 =	vor.u32 v1, v13  }
0x19b: {  	v25 =	vand.u32 $0x7D, v25;
	v13 =	vor.u32 v26, v28;
	v11 =	vand.u32 $0xC00, v11;
	v23 =	vld.idx.msk [tilespmem:v23+s5+$0x0], $0xffff;
	[tilespmem:s24+$0xFFFFFF70] =	vst v16;
	s24 =	smov.u32 s28;
	s28 =	smov.u32 s26  }
0x19c: {  	v14 =	vor.u32 v14, v15;
	v26 =	vor.u32 v0, v27;
	v15 =	vor.u32 v25, v11;
	v17 =	vld.idx.msk [tilespmem:v17+s5+$0x0], $0xffff  }
0x19d: {  	v25 =	vor.u32 v0, v14;
	v28 =	vor.u32 v0, v13;
	v29 =	vor.u32 v0, v15;
	v30 =	vld.idx.msk [tilespmem:v5+s5+$0x0], $0xffff  }
0x19e: {  	v11 =	vor.u32 v1, v14;
	v16 =	vor.u32 v1, v27;
	v13 =	vor.u32 v1, v13;
	[tilespmem:s24+$0xE0] =	vst v12  }
0x19f: {  	v5 =	vmov s22;
	v12 =	vmov s8;
	[tilespmem:s26+$0xFFFFFF80] =	vst v19;
	v19 =	vld.idx.msk [tilespmem:v24+s5+$0x0], $0xffff  }
0x1a0: {  	v14 =	vmov s6;
	v24 =	vshll.u32 v5, $0x3;
	v18 =	vld.idx.msk [tilespmem:v18+s5+$0x0], $0xffff;
	[tilespmem:s26+$0x0] =	vst v21;
	v21 =	vshll.u32 v12, $0x3  }
0x1a1: {  	v27 =	vshll.u32 v14, $0x3;
	v24 =	vand.u32 $0xC00, v24;
	v20 =	vld.idx.msk [tilespmem:v20+s5+$0x0], $0xffff;
	v21 =	vand.u32 $0xC00, v21;
	[tilespmem:s26+$0x90] =	vst v23  }
0x1a2: {  	v5 =	vand.u32 $0x76, v5;
	v12 =	vand.u32 $0x7A, v12;
	[tilespmem:s26+$0xFFFFFF00] =	vst v17;
	v17 =	vand.u32 $0xC00, v27;
	v27 =	vld.idx.msk [tilespmem:v29+s5+$0x0], $0xffff  }
0x1a3: {  	v14 =	vand.u32 $0x72, v14;
	v5 =	vor.u32 v5, v24;
	v21 =	vor.u32 v12, v21;
	v22 =	vld.idx.msk [tilespmem:v22+s5+$0x0], $0xffff;
	[tilespmem:s24+$0xFFFFFFD0] =	vst v7  }
0x1a4: {  	v24 =	vor.u32 v1, v15;
	v17 =	vor.u32 v14, v17;
	v14 =	vor.u32 v0, v5;
	[tilespmem:s24+$0x50] =	vst v9  }
0x1a5: {  	v7 =	vor.u32 v1, v5;
	v15 =	vor.u32 v0, v21;
	v12 =	vor.u32 v0, v17;
	[tilespmem:s24+$0xF0] =	vst v19  }
0x1a6: {  	s6 =	sor.u32 $0x2, s25;
	v5 =	vor.u32 v1, v17;
	v17 =	vmov s12;
	v9 =	vor.u32 v1, v21;
	[tilespmem:s26+$0xFFFFFF90] =	vst v18;
	v6 =	vld.idx.msk [tilespmem:v6+s5+$0x0], $0xffff  }
0x1a7: {  	v19 =	vmov s6;
	v18 =	vshll.u32 v17, $0x3;
	v29 =	vld.idx.msk [tilespmem:v26+s5+$0x0], $0xffff;
	[tilespmem:s26+$0x10] =	vst v20;
	v20 =	vmov s1  }
0x1a8: {  	v21 =	vmov s11;
	v23 =	vld.idx.msk [tilespmem:v28+s5+$0x0], $0xffff;
	v26 =	vshll.u32 v20, $0x3;
	[tilespmem:s26+$0xA0] =	vst v27;
	v27 =	vshll.u32 v19, $0x3  }
.Ltmp5:
0x1a9: {  	v28 =	vshll.u32 v21, $0x3;
	v19 =	vand.u32 $0x7E, v19;
	[tilespmem:s26+$0xFFFFFF10] =	vst v22;
	v22 =	vld.idx.msk [tilespmem:v24+s5+$0x0], $0xffff;
	v24 =	vand.u32 $0xC00, v27;
	(pc) =	sbr.rel @p2 .LBB2_8-.Ltmp5, $4  }
0x1aa: {  	v27 =	vand.u32 $0xC00, v18;
	v31 =	vand.u32 $0xC00, v26;
	v25 =	vld.idx.msk [tilespmem:v25+s5+$0x0], $0xffff;
	v19 =	vor.u32 v19, v24;
	[tilespmem:s24+$0xFFFFFF50] =	vst v30  }
0x1ab: {  	v17 =	vand.u32 $0x77, v17;
	v24 =	vand.u32 $0x7B, v20;
	v26 =	vor.u32 v0, v19;
	v18 =	vld.idx.msk [tilespmem:v10+s5+$0x0], $0xffff  }
0x1ac: {  	v20 =	vand.u32 $0xC00, v28;
	v10 =	vand.u32 $0x73, v21;
	v21 =	vor.u32 v17, v27;
	v17 =	vld.idx.msk [tilespmem:v8+s5+$0x0], $0xffff;
	[tilespmem:s24+$0xFFFFFFE0] =	vst v6  }
0x1ad: {  	s4 =	sadd.s32 $0x10, s4;
	v24 =	vor.u32 v24, v31;
	v20 =	vor.u32 v10, v20;
	v6 =	vor.u32 v0, v21;
	[tilespmem:s26+$0xFFFFFFA0] =	vst v29  }
0x1ae: {  	_ =	sdelay $0x3  }
0x1af: {  	v8 =	vld.idx.msk [tilespmem:v16+s5+$0x0], $0xffff;
	[tilespmem:s26+$0x20] =	vst v23  }
0x1b0: {  	v10 =	vld.idx.msk [tilespmem:v13+s5+$0x0], $0xffff;
	[tilespmem:s26+$0xFFFFFF20] =	vst v25  }
0x1b1: {  	v11 =	vld.idx.msk [tilespmem:v11+s5+$0x0], $0xffff;
	_ =	sdelay $0x1  }
0x1b2: {  	[tilespmem:s26+$0xB0] =	vst v22  }
0x1b3: {  	v48 =	vld.idx.msk [tilespmem:v26+s5+$0x0], $0xffff;
	[tilespmem:s26+$0xFFFFFFB0] =	vst v8  }
0x1b4: {  	v49 =	vor.u32 v1, v19;
	v14 =	vld.idx.msk [tilespmem:v14+s5+$0x0], $0xffff;
	[tilespmem:s26+$0x30] =	vst v10  }
0x1b5: {  	s1 =	sor.u32 $0x3, s25;
	v10 =	vld.idx.msk [tilespmem:v15+s5+$0x0], $0xffff;
	[tilespmem:s26+$0xFFFFFF30] =	vst v11  }
0x1b6: {  	v50 =	vmov s1;
	v12 =	vld.idx.msk [tilespmem:v12+s5+$0x0], $0xffff  }
0x1b7: {  	v51 =	vshll.u32 v50, $0x3  }
0x1b8: {  	v52 =	vand.u32 $0xC00, v51;
	[tilespmem:s26+$0xC0] =	vst v48;
	v11 =	vand.u32 $0x7F, v50  }
0x1b9: {  	v8 =	vld.idx.msk [tilespmem:v49+s5+$0x0], $0xffff;
	v11 =	vor.u32 v11, v52;
	[tilespmem:s26+$0xFFFFFFC0] =	vst v14  }
0x1ba: {  	v13 =	vor.u32 v0, v11;
	v7 =	vld.idx.msk [tilespmem:v7+s5+$0x0], $0xffff;
	[tilespmem:s26+$0x40] =	vst v10  }
0x1bb: {  	v9 =	vld.idx.msk [tilespmem:v9+s5+$0x0], $0xffff;
	[tilespmem:s26+$0xFFFFFF40] =	vst v12  }
0x1bc: {  	v53 =	vor.u32 v0, v24;
	v5 =	vld.idx.msk [tilespmem:v5+s5+$0x0], $0xffff  }
0x1bd: {  	v54 =	vor.u32 v0, v20;
	[tilespmem:s24+$0x60] =	vst v18  }
0x1be: {  	v4 =	vld.idx.msk [tilespmem:v4+s5+$0x0], $0xffff;
	[tilespmem:s26+$0xD0] =	vst v8  }
0x1bf: {  	v8 =	vld.idx.msk [tilespmem:v13+s5+$0x0], $0xffff;
	[tilespmem:s28+$0xFFFFFFD0] =	vst v7  }
0x1c0: {  	v55 =	vor.u32 v1, v11;
	[tilespmem:s28+$0x50] =	vst v9;
	v6 =	vld.idx.msk [tilespmem:v6+s5+$0x0], $0xffff  }
0x1c1: {  	v56 =	vor.u32 v1, v21;
	[tilespmem:s28+$0xFFFFFF50] =	vst v5;
	v57 =	vld.idx.msk [tilespmem:v53+s5+$0x0], $0xffff  }
0x1c2: {  	v58 =	vor.u32 v1, v24;
	[tilespmem:s24+$0xFFFFFF60] =	vst v17;
	v59 =	vld.idx.msk [tilespmem:v54+s5+$0x0], $0xffff  }
0x1c3: {  	v60 =	vor.u32 v1, v20;
	v3 =	vld.idx.msk [tilespmem:v3+s5+$0x0], $0xffff;
	[tilespmem:s24+$0xFFFFFFF0] =	vst v4  }
0x1c4: {  	v2 =	vld.idx.msk [tilespmem:v2+s5+$0x0], $0xffff;
	[tilespmem:s28+$0xE0] =	vst v8  }
0x1c5: {  	v61 =	vld.idx.msk [tilespmem:v55+s5+$0x0], $0xffff;
	[tilespmem:s28+$0xFFFFFFE0] =	vst v6  }
0x1c6: {  	[tilespmem:s28+$0x60] =	vst v57;
	v62 =	vld.idx.msk [tilespmem:v56+s5+$0x0], $0xffff  }
0x1c7: {  	[tilespmem:s28+$0xFFFFFF60] =	vst v59;
	v63 =	vld.idx.msk [tilespmem:v58+s5+$0x0], $0xffff  }
0x1c8: {  	[tilespmem:s24+$0x70] =	vst v3;
	v3 =	vld.idx.msk [tilespmem:v60+s5+$0x0], $0xffff  }
0x1c9: {  	[tilespmem:s24+$0xFFFFFF70] =	vst v2  }
0x1ca: {  	[tilespmem:s28+$0xF0] =	vst v61  }
0x1cb: {  	[tilespmem:s28+$0xFFFFFFF0] =	vst v62  }
0x1cc: {  	[tilespmem:s28+$0x70] =	vst v63  }
0x1cd: {  	[tilespmem:s28+$0xFFFFFF70] =	vst v3  }
.Ltmp6:
0x1ce: {  	s31 =	rddreg [dreg:$0x6];
	(pc) =	sbr.rel @p1 .LBB2_13-.Ltmp6, $4  }
0x1cf: {  	[hbm4b:s31+s5] =	stream.linear.scatter [tilespmem:s19], [sflag:$0x2], $0x4000, $0x38;
	[tilespmem:$0x10000] =	vst v63  }
0x1d0: {  	_ =	swait.ge [sflag:s29], $0x4000  }
0x1d1: {  	[sflag:s29] =	ssyncset.done $0x0  }
0x1d2: {  	s2 =	rddreg [dreg:$0xa];
	[sflag:s29] =	ssyncadd.s32 $0xFFFFC000  }
0x1d3: {  	s1 =	simm.s32 $0x0  }
0x1d4: {  	s10 =	simm.s32 $0x1;
	s30 =	simm.s32 $0x2;
	s11 =	simm.s32 $0x3;
	v2 =	vmov s1  }
0x1d5: {  	s2 =	simm.s32 $0xC;
	s4 =	simm.s32 $0x4;
	v12 =	vmov s10;
	v19 =	vmov s30;
	v23 =	vmov s11  }
0x1d6: {  	s8 =	simm.s32 $0x8;
	s6 =	sand.u32 $0x180, s1;
	s12 =	sand.u32 $0x7C, s2;
	v3 =	vshll.u32 v2, $0x3;
	v2 =	vand.u32 $0x70, v2;
	v14 =	vshll.u32 v12, $0x3  }
0x1d7: {  	s4 =	sand.u32 $0x74, s4;
	s21 =	sand.u32 $0x78, s8;
	s2 =	sor.u32 s6, s12;
	v12 =	vand.u32 $0x71, v12;
	v22 =	vshll.u32 v19, $0x3;
	v19 =	vand.u32 $0x72, v19  }
0x1d8: {  	s13 =	sor.u32 s6, s4;
	s4 =	sor.u32 s6, s21;
	v25 =	vshll.u32 v23, $0x3;
	v3 =	vand.u32 $0xC00, v3;
	v4 =	vmov s2  }
0x1d9: {  	v6 =	vmov s4;
	v14 =	vand.u32 $0xC00, v14;
	v2 =	vor.u32 v2, v3  }
0x1da: {  	s22 =	sor.u32 $0x1, s13;
	v3 =	vmov s13;
	v5 =	vshll.u32 v4, $0x3;
	v4 =	vand.u32 $0x7C, v4  }
0x1db: {  	v8 =	vshll.u32 v6, $0x3;
	v6 =	vand.u32 $0x78, v6;
	v10 =	vmov s22  }
0x1dc: {  	s24 =	rddreg [dreg:$0x7];
	v7 =	vshll.u32 v3, $0x3;
	v5 =	vand.u32 $0xC00, v5;
	v3 =	vand.u32 $0x74, v3  }
0x1dd: {  	[tilespmem:s17], [sflag:$0x1] =	stream.strided.gather [hbm4b:s24+s15], $0x4000, s16, s15, $0x38;
	v8 =	vand.u32 $0xC00, v8;
	v9 =	vor.u32 v0, v2;
	v4 =	vor.u32 v4, v5;
	[tilespmem:$0x10000] =	vst v63  }
0x1de: {  	s23 =	sor.u32 $0x1, s4;
	v7 =	vand.u32 $0xC00, v7;
	v5 =	vor.u32 v6, v8;
	v6 =	vor.u32 v0, v4  }
0x1df: {  	_ =	swait.ge [sflag:s18], $0x4000;
	s25 =	sor.u32 $0x1, s2;
	v11 =	vmov s23;
	v3 =	vor.u32 v3, v7;
	v8 =	vor.u32 v0, v5  }
0x1e0: {  	[sflag:s18] =	ssyncset.done $0x0;
	v16 =	vmov s25;
	v12 =	vor.u32 v12, v14;
	v7 =	vor.u32 v0, v3  }
0x1e1: {  	[sflag:s18] =	ssyncadd.s32 $0xFFFFC000;
	v2 =	vor.u32 v1, v2;
	v13 =	vshll.u32 v10, $0x3;
	v15 =	vshll.u32 v11, $0x3  }
0x1e2: {  	v10 =	vand.u32 $0x75, v10;
	v11 =	vand.u32 $0x79, v11;
	v13 =	vand.u32 $0xC00, v13;
	v9 =	vld.idx.msk [tilespmem:v9+s17+$0x0], $0xffff  }
0x1e3: {  	v15 =	vand.u32 $0xC00, v15;
	v5 =	vor.u32 v1, v5;
	v4 =	vor.u32 v1, v4;
	v6 =	vld.idx.msk [tilespmem:v6+s17+$0x0], $0xffff  }
0x1e4: {  	v10 =	vor.u32 v10, v13;
	v13 =	vshll.u32 v16, $0x3;
	v11 =	vor.u32 v11, v15;
	v8 =	vld.idx.msk [tilespmem:v8+s17+$0x0], $0xffff  }
0x1e5: {  	v15 =	vand.u32 $0x7D, v16;
	v3 =	vor.u32 v1, v3;
	v13 =	vand.u32 $0xC00, v13;
	v7 =	vld.idx.msk [tilespmem:v7+s17+$0x0], $0xffff  }
0x1e6: {  	s24 =	simm.s32 $0xC100;
	s26 =	sor.u32 $0x2, s13;
	v14 =	vor.u32 v0, v10;
	v16 =	vor.u32 v0, v11;
	v18 =	vor.u32 v1, v10  }
0x1e7: {  	v10 =	vmov s26;
	v13 =	vor.u32 v15, v13;
	v15 =	vor.u32 v0, v12;
	[tilespmem:s24+$0xFFFFFF00] =	vst v9  }
0x1e8: {  	s31 =	sor.u32 $0x2, s4;
	v12 =	vor.u32 v1, v12;
	v20 =	vshll.u32 v10, $0x3;
	v10 =	vand.u32 $0x76, v10;
	v2 =	vld.idx.msk [tilespmem:v2+s17+$0x0], $0xffff;
	[tilespmem:s24+$0x80] =	vst v6  }
0x1e9: {  	v17 =	vor.u32 v0, v13;
	v20 =	vand.u32 $0xC00, v20;
	v6 =	vmov s31;
	[tilespmem:s24+$0x0] =	vst v8;
	v4 =	vld.idx.msk [tilespmem:v4+s17+$0x0], $0xffff  }
0x1ea: {  	v13 =	vor.u32 v1, v13;
	v10 =	vor.u32 v10, v20;
	v21 =	vshll.u32 v6, $0x3;
	[tilespmem:s24+$0xFFFFFF80] =	vst v7;
	v8 =	vld.idx.msk [tilespmem:v5+s17+$0x0], $0xffff  }
0x1eb: {  	s12 =	sor.u32 $0x2, s2;
	v6 =	vand.u32 $0x7A, v6;
	v7 =	vand.u32 $0xC00, v21;
	v21 =	vand.u32 $0xC00, v22;
	v3 =	vld.idx.msk [tilespmem:v3+s17+$0x0], $0xffff  }
0x1ec: {  	s4 =	sor.u32 $0x3, s4;
	v9 =	vmov s12;
	v6 =	vor.u32 v6, v7;
	v7 =	vor.u32 v19, v21  }
0x1ed: {  	v19 =	vor.u32 v0, v10;
	v21 =	vor.u32 v1, v10;
	v10 =	vmov s4;
	[tilespmem:s24+$0xFFFFFF10] =	vst v2  }
0x1ee: {  	s1 =	sor.u32 $0x3, s13;
	v20 =	vor.u32 v0, v7;
	v22 =	vor.u32 v0, v6;
	v24 =	vshll.u32 v10, $0x3;
	[tilespmem:s24+$0x90] =	vst v4  }
0x1ef: {  	v5 =	vor.u32 v1, v7;
	v15 =	vld.idx.msk [tilespmem:v15+s17+$0x0], $0xffff;
	v4 =	vmov s1;
	[tilespmem:s24+$0x10] =	vst v8;
	v8 =	vand.u32 $0xC00, v24  }
0x1f0: {  	v7 =	vld.idx.msk [tilespmem:v17+s17+$0x0], $0xffff;
	v17 =	vor.u32 v1, v6;
	v6 =	vshll.u32 v4, $0x3;
	[tilespmem:s24+$0xFFFFFF90] =	vst v3;
	v3 =	vshll.u32 v9, $0x3  }
0x1f1: {  	v9 =	vand.u32 $0x7E, v9;
	v14 =	vld.idx.msk [tilespmem:v14+s17+$0x0], $0xffff;
	v3 =	vand.u32 $0xC00, v3;
	v6 =	vand.u32 $0xC00, v6  }
0x1f2: {  	v16 =	vld.idx.msk [tilespmem:v16+s17+$0x0], $0xffff;
	v9 =	vor.u32 v9, v3;
	v3 =	vand.u32 $0x77, v4;
	v4 =	vand.u32 $0x7B, v10  }
0x1f3: {  	v11 =	vor.u32 v1, v11;
	v3 =	vor.u32 v3, v6;
	v24 =	vor.u32 v4, v8  }
0x1f4: {  	v10 =	vand.u32 $0xC00, v25;
	[tilespmem:s24+$0xFFFFFF20] =	vst v15;
	v8 =	vor.u32 v0, v24;
	v4 =	vor.u32 v1, v3  }
0x1f5: {  	s13 =	simm.s32 $0x10;
	v12 =	vld.idx.msk [tilespmem:v12+s17+$0x0], $0xffff;
	[tilespmem:s24+$0xA0] =	vst v7;
	v7 =	vand.u32 $0x73, v23;
	v23 =	vor.u32 v0, v9;
	v9 =	vor.u32 v1, v9  }
0x1f6: {  	s30 =	simm.s32 $0x18;
	s21 =	simm.s32 $0x1C;
	v2 =	vmov s13;
	v13 =	vld.idx.msk [tilespmem:v13+s17+$0x0], $0xffff;
	v7 =	vor.u32 v7, v10;
	v10 =	vor.u32 v0, v3;
	[tilespmem:s24+$0xFFFFFFA0] =	vst v14  }
0x1f7: {  	s6 =	sand.u32 $0x78, s30;
	s25 =	sand.u32 $0x7C, s21;
	s23 =	sand.u32 $0x180, s13;
	[tilespmem:s24+$0x20] =	vst v16;
	v14 =	vand.u32 $0x70, v2;
	v2 =	vshll.u32 v2, $0x3;
	v3 =	vor.u32 v1, v24;
	v18 =	vld.idx.msk [tilespmem:v18+s17+$0x0], $0xffff  }
0x1f8: {  	s22 =	simm.s32 $0x14;
	s25 =	sor.u32 s23, s25;
	s4 =	sor.u32 s23, s6;
	v6 =	vor.u32 v0, v7;
	v16 =	vand.u32 $0xC00, v2;
	v2 =	vor.u32 v1, v7;
	v7 =	vld.idx.msk [tilespmem:v11+s17+$0x0], $0xffff  }
0x1f9: {  	s26 =	sand.u32 $0x74, s22;
	v24 =	vmov s4;
	v11 =	vor.u32 v14, v16;
	v14 =	vmov s25  }
0x1fa: {  	s31 =	sor.u32 s23, s26;
	v25 =	vshll.u32 v24, $0x3;
	v24 =	vand.u32 $0x78, v24;
	v16 =	vshll.u32 v14, $0x3;
	[tilespmem:s24+$0xFFFFFF30] =	vst v12  }
0x1fb: {  	v14 =	vand.u32 $0x7C, v14;
	v16 =	vand.u32 $0xC00, v16;
	[tilespmem:s24+$0xB0] =	vst v13;
	v13 =	vmov s31  }
0x1fc: {  	s2 =	sor.u32 $0x3, s2;
	v12 =	vor.u32 v0, v11;
	v14 =	vor.u32 v14, v16;
	v23 =	vld.idx.msk [tilespmem:v23+s17+$0x0], $0xffff;
	v15 =	vshll.u32 v13, $0x3;
	[tilespmem:s24+$0xFFFFFFB0] =	vst v18  }
0x1fd: {  	v16 =	vor.u32 v0, v14;
	v18 =	vmov s2;
	[tilespmem:s24+$0x30] =	vst v7;
	v7 =	vand.u32 $0x74, v13  }
0x1fe: {  	v13 =	vand.u32 $0xC00, v25;
	v15 =	vand.u32 $0xC00, v15;
	v25 =	vshll.u32 v18, $0x3  }
0x1ff: {  	v22 =	vld.idx.msk [tilespmem:v22+s17+$0x0], $0xffff;
	v18 =	vand.u32 $0x7F, v18;
	v25 =	vand.u32 $0xC00, v25;
	v7 =	vor.u32 v7, v15  }
0x200: {  	v19 =	vld.idx.msk [tilespmem:v19+s17+$0x0], $0xffff;
	v13 =	vor.u32 v24, v13;
	v15 =	vor.u32 v18, v25;
	v18 =	vor.u32 v0, v7  }
0x201: {  	s12 =	sor.u32 $0x1, s25;
	s8 =	sor.u32 $0x1, s31;
	s10 =	sor.u32 $0x1, s4;
	v25 =	vor.u32 v1, v13;
	[tilespmem:s24+$0xC0] =	vst v23;
	v23 =	vor.u32 v0, v13;
	v13 =	vld.idx.msk [tilespmem:v20+s17+$0x0], $0xffff  }
0x202: {  	v59 =	vmov s12;
	s13 =	sor.u32 $0x2, s31;
	v26 =	vmov s10;
	s1 =	sor.u32 $0x3, s31;
	s31 =	simm.s32 $0x13;
	v16 =	vld.idx.msk [tilespmem:v16+s17+$0x0], $0xffff  }
0x203: {  	v28 =	vshll.u32 v26, $0x3;
	v14 =	vor.u32 v1, v14;
	v61 =	vmov s31;
	v9 =	vld.idx.msk [tilespmem:v9+s17+$0x0], $0xffff  }
0x204: {  	s11 =	simm.s32 $0x11;
	v12 =	vld.idx.msk [tilespmem:v12+s17+$0x0], $0xffff;
	v24 =	vor.u32 v0, v15;
	v20 =	vor.u32 v1, v11;
	v11 =	vmov s8;
	[tilespmem:s24+$0x40] =	vst v22  }
0x205: {  	v7 =	vor.u32 v1, v7;
	[tilespmem:s24+$0xFFFFFFC0] =	vst v19;
	v19 =	vmov s11;
	v27 =	vshll.u32 v11, $0x3;
	v17 =	vld.idx.msk [tilespmem:v17+s17+$0x0], $0xffff  }
0x206: {  	s26 =	simm.s32 $0xC300;
	v15 =	vor.u32 v1, v15;
	v22 =	vshll.u32 v19, $0x3;
	v27 =	vand.u32 $0xC00, v27;
	v18 =	vld.idx.msk [tilespmem:v18+s17+$0x0], $0xffff;
	[tilespmem:s24+$0xFFFFFF40] =	vst v13  }
0x207: {  	v19 =	vand.u32 $0x71, v19;
	v22 =	vand.u32 $0xC00, v22;
	v13 =	vshll.u32 v59, $0x3;
	v23 =	vld.idx.msk [tilespmem:v23+s17+$0x0], $0xffff;
	[tilespmem:s26+$0x80] =	vst v16  }
0x208: {  	v16 =	vor.u32 v19, v22;
	[tilespmem:s24+$0xD0] =	vst v9;
	v9 =	vand.u32 $0x75, v11;
	v11 =	vand.u32 $0x79, v26;
	v30 =	vld.idx.msk [tilespmem:v5+s17+$0x0], $0xffff  }
0x209: {  	[tilespmem:s26+$0xFFFFFF00] =	vst v12;
	v26 =	vand.u32 $0xC00, v28;
	v13 =	vand.u32 $0xC00, v13;
	v5 =	vmov s13;
	v24 =	vld.idx.msk [tilespmem:v24+s17+$0x0], $0xffff  }
0x20a: {  	v20 =	vld.idx.msk [tilespmem:v20+s17+$0x0], $0xffff;
	v9 =	vor.u32 v9, v27;
	v26 =	vor.u32 v11, v26;
	v11 =	vand.u32 $0x7D, v59  }
0x20b: {  	v14 =	vld.idx.msk [tilespmem:v14+s17+$0x0], $0xffff;
	v27 =	vor.u32 v0, v16;
	[tilespmem:s24+$0x50] =	vst v17;
	v17 =	vmov s1;
	v22 =	vor.u32 v11, v13  }
0x20c: {  	s21 =	sor.u32 $0x2, s4;
	v19 =	vor.u32 v0, v9;
	v60 =	vor.u32 v0, v26;
	[tilespmem:s26+$0xFFFFFF80] =	vst v18;
	v29 =	vor.u32 v0, v22  }
0x20d: {  	v21 =	vld.idx.msk [tilespmem:v21+s17+$0x0], $0xffff;
	v11 =	vor.u32 v1, v16;
	v16 =	vor.u32 v1, v9;
	v9 =	vmov s21;
	[tilespmem:s26+$0x0] =	vst v23  }
0x20e: {  	s22 =	simm.s32 $0x12;
	v13 =	vor.u32 v1, v26;
	v22 =	vor.u32 v1, v22;
	v23 =	vshll.u32 v9, $0x3;
	v25 =	vld.idx.msk [tilespmem:v25+s17+$0x0], $0xffff;
	[tilespmem:s24+$0xE0] =	vst v24  }
0x20f: {  	v9 =	vand.u32 $0x7A, v9;
	[tilespmem:s26+$0xFFFFFF10] =	vst v20;
	v20 =	vshll.u32 v61, $0x3;
	v18 =	vld.idx.msk [tilespmem:v15+s17+$0x0], $0xffff;
	v15 =	vmov s22  }
0x210: {  	v23 =	vand.u32 $0xC00, v23;
	[tilespmem:s26+$0x90] =	vst v14;
	v20 =	vand.u32 $0xC00, v20;
	v24 =	vld.idx.msk [tilespmem:v7+s17+$0x0], $0xffff;
	v26 =	vshll.u32 v15, $0x3  }
0x211: {  	v7 =	vshll.u32 v5, $0x3;
	v5 =	vand.u32 $0x76, v5;
	v12 =	vand.u32 $0xC00, v26;
	v26 =	vld.idx.msk [tilespmem:v29+s17+$0x0], $0xffff  }
0x212: {  	[tilespmem:s24+$0xFFFFFFD0] =	vst v21;
	v9 =	vor.u32 v9, v23;
	v7 =	vand.u32 $0xC00, v7;
	v14 =	vand.u32 $0x72, v15  }
0x213: {  	v10 =	vld.idx.msk [tilespmem:v10+s17+$0x0], $0xffff;
	v5 =	vor.u32 v5, v7;
	v15 =	vor.u32 v0, v9;
	v9 =	vor.u32 v1, v9  }
0x214: {  	s30 =	sor.u32 $0x2, s25;
	v7 =	vor.u32 v1, v5;
	v21 =	vor.u32 v14, v12;
	v14 =	vor.u32 v0, v5;
	[tilespmem:s26+$0x10] =	vst v25  }
0x215: {  	s23 =	sor.u32 $0x3, s4;
	v25 =	vmov s30;
	v12 =	vor.u32 v0, v21;
	v5 =	vor.u32 v1, v21;
	[tilespmem:s26+$0xFFFFFF90] =	vst v24;
	v23 =	vld.idx.msk [tilespmem:v60+s17+$0x0], $0xffff  }
0x216: {  	v21 =	vmov s23;
	v31 =	vand.u32 $0x7E, v25;
	v24 =	vld.idx.msk [tilespmem:v19+s17+$0x0], $0xffff;
	[tilespmem:s26+$0xA0] =	vst v26;
	v26 =	vshll.u32 v25, $0x3  }
0x217: {  	v19 =	vshll.u32 v17, $0x3;
	v62 =	vshll.u32 v21, $0x3;
	v25 =	vld.idx.msk [tilespmem:v27+s17+$0x0], $0xffff;
	v26 =	vand.u32 $0xC00, v26  }
0x218: {  	[tilespmem:s24+$0xFFFFFF50] =	vst v30;
	v17 =	vand.u32 $0x77, v17;
	v27 =	vand.u32 $0xC00, v19;
	v22 =	vld.idx.msk [tilespmem:v22+s17+$0x0], $0xffff;
	v19 =	vor.u32 v31, v26  }
0x219: {  	[tilespmem:s24+$0xF0] =	vst v18;
	v63 =	vand.u32 $0x7B, v21;
	v18 =	vld.idx.msk [tilespmem:v8+s17+$0x0], $0xffff;
	v8 =	vand.u32 $0x73, v61;
	v26 =	vor.u32 v0, v19  }
0x21a: {  	[tilespmem:s24+$0xFFFFFFE0] =	vst v10;
	v28 =	vand.u32 $0xC00, v62;
	v20 =	vor.u32 v8, v20;
	v21 =	vor.u32 v17, v27  }
0x21b: {  	s28 =	simm.s32 $0xC300;
	s4 =	simm.s32 $0x20;
	s2 =	simm.s32 $0x4;
	v17 =	vld.idx.msk [tilespmem:v6+s17+$0x0], $0xffff;
	v6 =	vor.u32 v0, v21;
	[tilespmem:s26+$0xFFFFFFA0] =	vst v24;
	v24 =	vor.u32 v63, v28  }
.LBB2_11:
0x21c: {  	v27 =	vmov s4;
	s1 =	sadd.s32 $0x4, s4;
	s6 =	sadd.s32 $0xC, s4;
	s2 =	sadd.s32 $0x4, s2;
	v8 =	vor.u32 v0, v20;
	v16 =	vld.idx.msk [tilespmem:v16+s17+$0x0], $0xffff;
	[tilespmem:s26+$0x20] =	vst v23;
	v10 =	vor.u32 v0, v24  }
0x21d: {  	s8 =	sand.u32 $0x180, s4;
	v21 =	vor.u32 v1, v21;
	v23 =	vand.u32 $0x70, v27;
	v27 =	vshll.u32 v27, $0x3;
	s6 =	sand.u32 $0x7C, s6;
	p2 =	slt.u32 s2, $0x7C;
	v13 =	vld.idx.msk [tilespmem:v13+s17+$0x0], $0xffff;
	[tilespmem:s26+$0xB0] =	vst v22  }
0x21e: {  	s11 =	sadd.s32 $0x8, s4;
	v20 =	vor.u32 v1, v20;
	v24 =	vor.u32 v1, v24;
	s1 =	sand.u32 $0x74, s1;
	v22 =	vand.u32 $0xC00, v27;
	s21 =	sor.u32 s8, s6;
	[tilespmem:s26+$0xFFFFFF20] =	vst v25;
	v25 =	vld.idx.msk [tilespmem:v26+s17+$0x0], $0xffff  }
0x21f: {  	s10 =	sadd.s32 $0x1, s4;
	s1 =	sor.u32 s8, s1;
	s6 =	sand.u32 $0x78, s11;
	v22 =	vor.u32 v23, v22;
	v23 =	vmov s21;
	v11 =	vld.idx.msk [tilespmem:v11+s17+$0x0], $0xffff;
	[tilespmem:s24+$0x60] =	vst v18  }
0x220: {  	v19 =	vor.u32 v1, v19;
	v18 =	vmov s1;
	s13 =	sor.u32 $0x1, s1;
	s22 =	sor.u32 $0x2, s1;
	s11 =	sor.u32 s8, s6;
	v26 =	vshll.u32 v23, $0x3;
	[tilespmem:s24+$0xFFFFFF60] =	vst v17;
	v17 =	vld.idx.msk [tilespmem:v4+s17+$0x0], $0xffff;
	v4 =	vmovc v21  }
0x221: {  	s6 =	sadd.s32 $0x2, s4;
	v21 =	vmov s11;
	s23 =	sor.u32 $0x1, s11;
	s8 =	sor.u32 $0x2, s11;
	v23 =	vand.u32 $0x7C, v23;
	v26 =	vand.u32 $0xC00, v26;
	v27 =	vld.idx.msk [tilespmem:v3+s17+$0x0], $0xffff;
	v3 =	vmovc v24  }
0x222: {  	s25 =	sor.u32 $0x3, s25;
	s12 =	sor.u32 $0x3, s1;
	s1 =	sor.u32 $0x3, s11;
	v24 =	vshll.u32 v18, $0x3;
	v28 =	vshll.u32 v21, $0x3;
	v23 =	vor.u32 v23, v26;
	[tilespmem:s26+$0xFFFFFFB0] =	vst v16;
	v16 =	vld.idx.msk [tilespmem:v2+s17+$0x0], $0xffff;
	v2 =	vmovc v20  }
0x223: {  	s11 =	sadd.s32 $0x3, s4;
	v20 =	vand.u32 $0xC00, v24;
	v24 =	vor.u32 v0, v23;
	v14 =	vld.idx.msk [tilespmem:v14+s17+$0x0], $0xffff;
	[tilespmem:s26+$0x30] =	vst v13;
	v13 =	vmov s25;
	s25 =	smov.u32 s21  }
0x224: {  	v18 =	vand.u32 $0x74, v18;
	v26 =	vand.u32 $0xC00, v28;
	v15 =	vld.idx.msk [tilespmem:v15+s17+$0x0], $0xffff;
	[tilespmem:s26+$0xC0] =	vst v25;
	v25 =	vshll.u32 v13, $0x3  }
0x225: {  	v21 =	vand.u32 $0x78, v21;
	v13 =	vand.u32 $0x7F, v13;
	[tilespmem:s26+$0xFFFFFF30] =	vst v11;
	v11 =	vld.idx.msk [tilespmem:v19+s17+$0x0], $0xffff;
	v19 =	vand.u32 $0xC00, v25  }
0x226: {  	v18 =	vor.u32 v18, v20;
	v20 =	vor.u32 v21, v26;
	v12 =	vld.idx.msk [tilespmem:v12+s17+$0x0], $0xffff;
	v13 =	vor.u32 v13, v19  }
0x227: {  	v21 =	vor.u32 v0, v20;
	v19 =	vor.u32 v0, v18;
	v25 =	vor.u32 v0, v13;
	[tilespmem:s24+$0xFFFFFFF0] =	vst v17  }
0x228: {  	v20 =	vor.u32 v1, v20;
	v18 =	vor.u32 v1, v18;
	v17 =	vor.u32 v0, v22;
	v24 =	vld.idx.msk [tilespmem:v24+s17+$0x0], $0xffff  }
0x229: {  	v28 =	vmov s23;
	v26 =	vmov s13;
	v22 =	vor.u32 v1, v22;
	[tilespmem:s26+$0xFFFFFFC0] =	vst v14  }
0x22a: {  	v23 =	vor.u32 v1, v23;
	v29 =	vshll.u32 v26, $0x3;
	v14 =	vmov s10;
	v7 =	vld.idx.msk [tilespmem:v7+s17+$0x0], $0xffff;
	[tilespmem:s26+$0x40] =	vst v15  }
0x22b: {  	v30 =	vshll.u32 v28, $0x3;
	v29 =	vand.u32 $0xC00, v29;
	v15 =	vshll.u32 v14, $0x3;
	v9 =	vld.idx.msk [tilespmem:v9+s17+$0x0], $0xffff;
	[tilespmem:s26+$0xD0] =	vst v11  }
0x22c: {  	s10 =	sor.u32 $0x1, s25;
	v11 =	vand.u32 $0x75, v26;
	v26 =	vand.u32 $0x79, v28;
	v28 =	vand.u32 $0xC00, v30;
	[tilespmem:s26+$0xFFFFFF40] =	vst v12;
	v12 =	vld.idx.msk [tilespmem:v25+s17+$0x0], $0xffff  }
0x22d: {  	v14 =	vand.u32 $0x71, v14;
	v15 =	vand.u32 $0xC00, v15;
	v25 =	vmov s10;
	s26 =	sadd.s32 $0x200, s26;
	v19 =	vld.idx.msk [tilespmem:v19+s17+$0x0], $0xffff;
	[tilespmem:s24+$0x70] =	vst v27  }
0x22e: {  	v27 =	vor.u32 v11, v29;
	v11 =	vshll.u32 v25, $0x3;
	v21 =	vld.idx.msk [tilespmem:v21+s17+$0x0], $0xffff;
	[tilespmem:s26+$0x80] =	vst v24;
	v24 =	vor.u32 v1, v13  }
0x22f: {  	v25 =	vand.u32 $0x7D, v25;
	v13 =	vor.u32 v26, v28;
	v11 =	vand.u32 $0xC00, v11;
	v23 =	vld.idx.msk [tilespmem:v23+s17+$0x0], $0xffff;
	[tilespmem:s24+$0xFFFFFF70] =	vst v16;
	s24 =	smov.u32 s28;
	s28 =	smov.u32 s26  }
0x230: {  	v14 =	vor.u32 v14, v15;
	v26 =	vor.u32 v0, v27;
	v15 =	vor.u32 v25, v11;
	v17 =	vld.idx.msk [tilespmem:v17+s17+$0x0], $0xffff  }
0x231: {  	v25 =	vor.u32 v0, v14;
	v28 =	vor.u32 v0, v13;
	v29 =	vor.u32 v0, v15;
	v30 =	vld.idx.msk [tilespmem:v5+s17+$0x0], $0xffff  }
0x232: {  	v11 =	vor.u32 v1, v14;
	v16 =	vor.u32 v1, v27;
	v13 =	vor.u32 v1, v13;
	[tilespmem:s24+$0xE0] =	vst v12  }
0x233: {  	v5 =	vmov s22;
	v12 =	vmov s8;
	[tilespmem:s26+$0xFFFFFF80] =	vst v19;
	v19 =	vld.idx.msk [tilespmem:v24+s17+$0x0], $0xffff  }
0x234: {  	v14 =	vmov s6;
	v24 =	vshll.u32 v5, $0x3;
	v18 =	vld.idx.msk [tilespmem:v18+s17+$0x0], $0xffff;
	[tilespmem:s26+$0x0] =	vst v21;
	v21 =	vshll.u32 v12, $0x3  }
0x235: {  	v27 =	vshll.u32 v14, $0x3;
	v24 =	vand.u32 $0xC00, v24;
	v20 =	vld.idx.msk [tilespmem:v20+s17+$0x0], $0xffff;
	v21 =	vand.u32 $0xC00, v21;
	[tilespmem:s26+$0x90] =	vst v23  }
0x236: {  	v5 =	vand.u32 $0x76, v5;
	v12 =	vand.u32 $0x7A, v12;
	[tilespmem:s26+$0xFFFFFF00] =	vst v17;
	v17 =	vand.u32 $0xC00, v27;
	v27 =	vld.idx.msk [tilespmem:v29+s17+$0x0], $0xffff  }
0x237: {  	v14 =	vand.u32 $0x72, v14;
	v5 =	vor.u32 v5, v24;
	v21 =	vor.u32 v12, v21;
	v22 =	vld.idx.msk [tilespmem:v22+s17+$0x0], $0xffff;
	[tilespmem:s24+$0xFFFFFFD0] =	vst v7  }
0x238: {  	v24 =	vor.u32 v1, v15;
	v17 =	vor.u32 v14, v17;
	v14 =	vor.u32 v0, v5;
	[tilespmem:s24+$0x50] =	vst v9  }
0x239: {  	v7 =	vor.u32 v1, v5;
	v15 =	vor.u32 v0, v21;
	v12 =	vor.u32 v0, v17;
	[tilespmem:s24+$0xF0] =	vst v19  }
0x23a: {  	s6 =	sor.u32 $0x2, s25;
	v5 =	vor.u32 v1, v17;
	v17 =	vmov s12;
	v9 =	vor.u32 v1, v21;
	[tilespmem:s26+$0xFFFFFF90] =	vst v18;
	v6 =	vld.idx.msk [tilespmem:v6+s17+$0x0], $0xffff  }
0x23b: {  	v19 =	vmov s6;
	v18 =	vshll.u32 v17, $0x3;
	v29 =	vld.idx.msk [tilespmem:v26+s17+$0x0], $0xffff;
	[tilespmem:s26+$0x10] =	vst v20;
	v20 =	vmov s1  }
0x23c: {  	v21 =	vmov s11;
	v23 =	vld.idx.msk [tilespmem:v28+s17+$0x0], $0xffff;
	v26 =	vshll.u32 v20, $0x3;
	[tilespmem:s26+$0xA0] =	vst v27;
	v27 =	vshll.u32 v19, $0x3  }
.Ltmp7:
0x23d: {  	v28 =	vshll.u32 v21, $0x3;
	v19 =	vand.u32 $0x7E, v19;
	[tilespmem:s26+$0xFFFFFF10] =	vst v22;
	v22 =	vld.idx.msk [tilespmem:v24+s17+$0x0], $0xffff;
	v24 =	vand.u32 $0xC00, v27;
	(pc) =	sbr.rel @p2 .LBB2_11-.Ltmp7, $4  }
0x23e: {  	v27 =	vand.u32 $0xC00, v18;
	v31 =	vand.u32 $0xC00, v26;
	v25 =	vld.idx.msk [tilespmem:v25+s17+$0x0], $0xffff;
	v19 =	vor.u32 v19, v24;
	[tilespmem:s24+$0xFFFFFF50] =	vst v30  }
0x23f: {  	v17 =	vand.u32 $0x77, v17;
	v24 =	vand.u32 $0x7B, v20;
	v26 =	vor.u32 v0, v19;
	v18 =	vld.idx.msk [tilespmem:v10+s17+$0x0], $0xffff  }
0x240: {  	v20 =	vand.u32 $0xC00, v28;
	v10 =	vand.u32 $0x73, v21;
	v21 =	vor.u32 v17, v27;
	v17 =	vld.idx.msk [tilespmem:v8+s17+$0x0], $0xffff;
	[tilespmem:s24+$0xFFFFFFE0] =	vst v6  }
0x241: {  	s4 =	sadd.s32 $0x10, s4;
	v24 =	vor.u32 v24, v31;
	v20 =	vor.u32 v10, v20;
	v6 =	vor.u32 v0, v21;
	[tilespmem:s26+$0xFFFFFFA0] =	vst v29  }
0x242: {  	_ =	sdelay $0x3  }
0x243: {  	v8 =	vld.idx.msk [tilespmem:v16+s17+$0x0], $0xffff;
	[tilespmem:s26+$0x20] =	vst v23  }
0x244: {  	v10 =	vld.idx.msk [tilespmem:v13+s17+$0x0], $0xffff;
	[tilespmem:s26+$0xFFFFFF20] =	vst v25  }
0x245: {  	v11 =	vld.idx.msk [tilespmem:v11+s17+$0x0], $0xffff;
	_ =	sdelay $0x1  }
0x246: {  	[tilespmem:s26+$0xB0] =	vst v22  }
0x247: {  	v48 =	vld.idx.msk [tilespmem:v26+s17+$0x0], $0xffff;
	[tilespmem:s26+$0xFFFFFFB0] =	vst v8  }
0x248: {  	v49 =	vor.u32 v1, v19;
	v14 =	vld.idx.msk [tilespmem:v14+s17+$0x0], $0xffff;
	[tilespmem:s26+$0x30] =	vst v10  }
0x249: {  	s1 =	sor.u32 $0x3, s25;
	v10 =	vld.idx.msk [tilespmem:v15+s17+$0x0], $0xffff;
	[tilespmem:s26+$0xFFFFFF30] =	vst v11  }
0x24a: {  	v50 =	vmov s1;
	v12 =	vld.idx.msk [tilespmem:v12+s17+$0x0], $0xffff  }
0x24b: {  	v51 =	vshll.u32 v50, $0x3  }
0x24c: {  	v52 =	vand.u32 $0xC00, v51;
	[tilespmem:s26+$0xC0] =	vst v48;
	v11 =	vand.u32 $0x7F, v50  }
0x24d: {  	v8 =	vld.idx.msk [tilespmem:v49+s17+$0x0], $0xffff;
	v11 =	vor.u32 v11, v52;
	[tilespmem:s26+$0xFFFFFFC0] =	vst v14  }
0x24e: {  	v13 =	vor.u32 v0, v11;
	v7 =	vld.idx.msk [tilespmem:v7+s17+$0x0], $0xffff;
	[tilespmem:s26+$0x40] =	vst v10  }
0x24f: {  	v9 =	vld.idx.msk [tilespmem:v9+s17+$0x0], $0xffff;
	[tilespmem:s26+$0xFFFFFF40] =	vst v12  }
0x250: {  	v53 =	vor.u32 v0, v24;
	v5 =	vld.idx.msk [tilespmem:v5+s17+$0x0], $0xffff  }
0x251: {  	v54 =	vor.u32 v0, v20;
	[tilespmem:s24+$0x60] =	vst v18  }
0x252: {  	v4 =	vld.idx.msk [tilespmem:v4+s17+$0x0], $0xffff;
	[tilespmem:s26+$0xD0] =	vst v8  }
0x253: {  	v8 =	vld.idx.msk [tilespmem:v13+s17+$0x0], $0xffff;
	[tilespmem:s28+$0xFFFFFFD0] =	vst v7  }
0x254: {  	v55 =	vor.u32 v1, v11;
	[tilespmem:s28+$0x50] =	vst v9;
	v6 =	vld.idx.msk [tilespmem:v6+s17+$0x0], $0xffff  }
0x255: {  	v56 =	vor.u32 v1, v21;
	[tilespmem:s28+$0xFFFFFF50] =	vst v5;
	v57 =	vld.idx.msk [tilespmem:v53+s17+$0x0], $0xffff  }
0x256: {  	v58 =	vor.u32 v1, v24;
	[tilespmem:s24+$0xFFFFFF60] =	vst v17;
	v59 =	vld.idx.msk [tilespmem:v54+s17+$0x0], $0xffff  }
0x257: {  	v60 =	vor.u32 v1, v20;
	v3 =	vld.idx.msk [tilespmem:v3+s17+$0x0], $0xffff;
	[tilespmem:s24+$0xFFFFFFF0] =	vst v4  }
0x258: {  	v2 =	vld.idx.msk [tilespmem:v2+s17+$0x0], $0xffff;
	[tilespmem:s28+$0xE0] =	vst v8  }
0x259: {  	v61 =	vld.idx.msk [tilespmem:v55+s17+$0x0], $0xffff;
	[tilespmem:s28+$0xFFFFFFE0] =	vst v6  }
0x25a: {  	[tilespmem:s28+$0x60] =	vst v57;
	v62 =	vld.idx.msk [tilespmem:v56+s17+$0x0], $0xffff  }
0x25b: {  	[tilespmem:s28+$0xFFFFFF60] =	vst v59;
	v63 =	vld.idx.msk [tilespmem:v58+s17+$0x0], $0xffff  }
0x25c: {  	[tilespmem:s24+$0x70] =	vst v3;
	v3 =	vld.idx.msk [tilespmem:v60+s17+$0x0], $0xffff  }
0x25d: {  	[tilespmem:s24+$0xFFFFFF70] =	vst v2  }
0x25e: {  	[tilespmem:s28+$0xF0] =	vst v61  }
0x25f: {  	[tilespmem:s28+$0xFFFFFFF0] =	vst v62  }
0x260: {  	[tilespmem:s28+$0x70] =	vst v63  }
0x261: {  	[tilespmem:s28+$0xFFFFFF70] =	vst v3  }
.Ltmp8:
0x262: {  	s31 =	simm.s32 $0x3;
	s30 =	rddreg [dreg:$0x8];
	(pc) =	sbr.rel .LBB2_13-.Ltmp8, $4  }
0x263: {  	[hbm4b:s30+s5] =	stream.linear.scatter [tilespmem:s20], [sflag:$0x3], $0x4000, $0x38;
	[tilespmem:$0x10000] =	vst v63  }
0x264: {  	_ =	swait.ge [sflag:s31], $0x4000  }
0x265: {  	[sflag:s31] =	ssyncset.done $0x0  }
0x266: {  	s2 =	rddreg [dreg:$0xa];
	[sflag:s31] =	ssyncadd.s32 $0xFFFFC000  }
.LBB2_14:
0x267: {  	_ =	sfence.sel $0x180000  }
0x268: {  	[bflag:$0x0] =	sbarrier.arrive $0xFFFF  }
0x269: {  	_ =	strace $0x90000047  }
0x26a: {  	s0 =	stileid.u32;
	[bflag:$0x2] =	sbarrier.arrive $0xFFFF  }
0x26b: {  	p0 =	sne.s32 s0, $0x0;
	s0 =	rddreg [dreg:$0x3]  }
0x26c: {  	s0 =	sadd.s32 @!p0 $0x100000, s0  }
0x26d: {  	[sflag:s0] =	ssyncadd.tile.s32 @!p0 $0x1;
	_ =	shalt  }
.Lfunc_end2:
_tile_overlayer_lowered:
.L_overlay_start_2:
0x26e: {  	(tag) =	ssettag $0x2  }
0x26f: {  	s0 =	rddreg [dreg:$0x0];
	s2 =	stileid.u32  }
0x270: {  	s1 =	rddreg [dreg:$0x1];
	p0 =	sne.s32 s2, $0x0  }
0x271: {  	s3 =	rddreg [dreg:$0x2];
	[bflag:$0x3] =	sbarrier.arrive $0xFFFF;
	s2 =	simm.s32 @!p0 $0x1C03  }
0x272: {  	[timem:s3], [sflag:s2] =	dma.local @!p0 [hbm:s0], s1  }
0x273: {  	s0 =	simm.s32 @!p0 $0x3  }
0x274: {  	_ =	swait.ge @!p0 [sflag:s0], s1  }
0x275: {  	s1 =	ssub.s32 @!p0 $0x0, s1;
	[sflag:s0] =	ssyncset.done @!p0 $0x0  }
0x276: {  	[sflag:s0] =	ssyncadd.s32 @!p0 s1  }
0x277: {  	[bflag:$0x3] =	sbarrier.arrive $0xFFFF  }
0x278: {  	_ =	shalt  }

</sc_bundles>
